<compile_context>
chip_gen: v7x
topology: tpu7x:2x2x1
jax: 0.10.2.dev20260603
libtpu: 0.0.44.dev20260713+nightly
codegen_flags: <defaults>
</compile_context>

<pallas_src>
import functools
import jax
import jax.numpy as jnp
from jax import lax
from jax.experimental import pallas as pl
from jax.experimental.pallas import tpu as pltpu
from jax.experimental.pallas import tpu_sc as plsc

_B, _S, _D = 4, 8192, 128
_E, _K, _H, _O = 64, 8, 512, 128
_NEG = float("-inf")


def _gelu(h):
    return 0.5 * h * (1.0 + jax.lax.erf(h * 0.7071067811865476))


def _gate_body(x_ref, wg_ref, bg_ref, idx_ref, tv_ref, inp_ref):
    x = x_ref[0]
    wg = wg_ref[...]
    logits = jax.lax.dot_general(
        wg, x, (((1,), (1,)), ((), ())), preferred_element_type=jnp.float32
    ) + bg_ref[...]
    m = jnp.max(logits, axis=1, keepdims=True)
    z = jnp.sum(jnp.exp(logits - m), axis=1, keepdims=True)
    zinv = 1.0 / z
    iota = jax.lax.broadcasted_iota(jnp.int32, (_E, _S), 1)
    k16 = jax.lax.broadcasted_iota(jnp.int32, (_E, 16), 1)
    lw = logits
    p = jnp.zeros((_E, _S), jnp.float32)
    idxa = jnp.zeros((_E, 16), jnp.int32)
    tva = jnp.zeros((_E, 16), jnp.float32)
    for k in range(_K):
        cm = jnp.max(lw, axis=1, keepdims=True)
        cidx = jnp.min(jnp.where(lw == cm, iota, _S), axis=1, keepdims=True)
        hit = iota == cidx
        tv = jnp.exp(cm - m) * zinv
        p = jnp.where(hit, tv, p)
        lw = jnp.where(hit, _NEG, lw)
        idxa = jnp.where(k16 == k, cidx, idxa)
        tva = jnp.where(k16 == k, tv, tva)
    idx_ref[0] = idxa
    tv_ref[0] = tva
    inp_ref[0] = jax.lax.dot_general(
        p, x, (((1,), (0,)), ((), ())), preferred_element_type=jnp.float32
    )


_EB = 16


def _ffn_body(inp_ref, tv_ref, w1_ref, w2_ref, srows_ref):
    for e in range(_EB):
        v = inp_ref[:, e, :]
        w1 = w1_ref[e]
        h = jnp.dot(v, w1[:_D], preferred_element_type=jnp.float32) + w1[_D:_D + 1]
        h = _gelu(h)
        w2 = w2_ref[e]
        o = jnp.dot(h, w2[:_H], preferred_element_type=jnp.float32) + w2[_H:_H + 1]
        s = tv_ref[:, e, :]
        srows_ref[:, e] = s[:, :, None] * o[:, None, :]


def _scatter_body(idx_ref, srows_ref, y_ref, zbuf, idxbuf, crows, ybuf):
    cid = lax.axis_index("c")
    sid = lax.axis_index("s")

    def zr(t, c):
        r = lax.shift_right_logical(t, 3)
        q = lax.bitwise_and(t, 7)
        zbuf[r, pl.ds(q * 16, 16)] = jnp.zeros((16,), jnp.float32)
        return c
    lax.fori_loop(0, 128 * (_O // 16), zr, 0)

    for bb_local in range(2):
        bb = cid * 2 + bb_local
        colbase = bb * _E + sid * 4
        pltpu.sync_copy(idx_ref.at[pl.ds(colbase * 16, 64)], idxbuf)
        pltpu.sync_copy(srows_ref.at[pl.ds(colbase * 16, 64)], crows)
        for t in range(4):
            pltpu.sync_copy(zbuf, ybuf.at[pl.ds(sid * 512 + t * 128, 128)])
        plsc.subcore_barrier()
        pltpu.sync_copy(crows, ybuf.at[idxbuf], add=True)
        plsc.subcore_barrier()
        pltpu.sync_copy(ybuf.at[pl.ds(sid * 512, 512)],
                        y_ref.at[pl.ds(bb * _S + sid * 512, 512)])
        plsc.subcore_barrier()


def _sc_scatter(idx_flat, srows_flat):
    mesh = plsc.VectorSubcoreMesh(core_axis_name="c", subcore_axis_name="s")
    fn = functools.partial(
        pl.kernel,
        mesh=mesh,
        out_type=jax.ShapeDtypeStruct((_B * _S, _O), jnp.float32),
        scratch_types=[
            pltpu.VMEM((128, _O), jnp.float32),
            pltpu.VMEM((64,), jnp.int32),
            pltpu.VMEM((64, _O), jnp.float32),
            pltpu.VMEM_SHARED((_S, _O), jnp.float32),
        ],
    )(_scatter_body)
    return fn(idx_flat, srows_flat)


def kernel(x, W_gate, b_gate, weight1, weight2):
    bg2 = b_gate.reshape(_E, 1)
    idx, tv, inp = pl.pallas_call(
        _gate_body,
        grid=(_B,),
        in_specs=[
            pl.BlockSpec((1, _S, _D), lambda b: (b, 0, 0)),
            pl.BlockSpec((_E, _D), lambda b: (0, 0)),
            pl.BlockSpec((_E, 1), lambda b: (0, 0)),
        ],
        out_specs=[
            pl.BlockSpec((1, _E, 16), lambda b: (b, 0, 0)),
            pl.BlockSpec((1, _E, 16), lambda b: (b, 0, 0)),
            pl.BlockSpec((1, _E, _D), lambda b: (b, 0, 0)),
        ],
        out_shape=[
            jax.ShapeDtypeStruct((_B, _E, 16), jnp.int32),
            jax.ShapeDtypeStruct((_B, _E, 16), jnp.float32),
            jax.ShapeDtypeStruct((_B, _E, _D), jnp.float32),
        ],
    )(x, W_gate, bg2)

    srows = pl.pallas_call(
        _ffn_body,
        grid=(_E // _EB,),
        in_specs=[
            pl.BlockSpec((_B, _EB, _D), lambda e: (0, e, 0)),
            pl.BlockSpec((_B, _EB, 16), lambda e: (0, e, 0)),
            pl.BlockSpec((_EB, _D + 1, _H), lambda e: (e, 0, 0)),
            pl.BlockSpec((_EB, _H + 1, _O), lambda e: (e, 0, 0)),
        ],
        out_specs=pl.BlockSpec((_B, _EB, 16, _O), lambda e: (0, e, 0, 0)),
        out_shape=jax.ShapeDtypeStruct((_B, _E, 16, _O), jnp.float32),
    )(inp, tv, weight1, weight2)

    y = _sc_scatter(
        idx.reshape(_B * _E * 16),
        srows.reshape(_B * _E * 16, _O),
    )
    return y.reshape(_B, _S, _O)

# --- scband reference (transcript-rebuilt; emitter-appended) ---
"""Pipeline reference for scband-moe-mux-expert-choice-ktokens-40123584479377 (READ-ONLY COPY).

The authoritative reference and input builder live on the scoring server;
editing this copy changes nothing except your own understanding.
"""

import jax, jax.numpy as jnp
import numpy as np

B, S, D = 4, 8192, 128
E, K, H, O = 64, 8, 512, 128

def setup_inputs(seed: int = 0) -> dict:
    key = jax.random.key(seed)
    ks = jax.random.split(key, 4)
    x = jax.random.normal(ks[0], (B, S, D), dtype=jnp.float32)
    W_gate = jax.random.normal(ks[1], (E, D), dtype=jnp.float32) * (1.0 / np.sqrt(D))
    b_gate = jnp.zeros((E,), dtype=jnp.float32)
    weight1 = jax.random.normal(ks[2], (E, D + 1, H), dtype=jnp.float32) * (1.0 / np.sqrt(D + 1))
    weight2 = jax.random.normal(ks[3], (E, H + 1, O), dtype=jnp.float32) * (1.0 / np.sqrt(H + 1))
    return {"x": x, "W_gate": W_gate, "b_gate": b_gate, "weight1": weight1, "weight2": weight2}

def reference(x, W_gate, b_gate, weight1, weight2):
    # gate: nn.Linear(D, E)
    gateLogits = x @ W_gate.T + b_gate                       # [B, S, E]
    gateProbs = jax.nn.softmax(gateLogits, axis=-2)          # softmax over tokens
    # torch.topk(gateProbs, K, dim=-2): top-k over the token axis
    gp = jnp.swapaxes(gateProbs, 1, 2)                       # [B, E, S]
    topv, topi = jax.lax.top_k(gp, K)                        # [B, E, K]
    topKvalues = jnp.swapaxes(topv, 1, 2)                    # [B, K, E]
    topKindices = jnp.swapaxes(topi, 1, 2)                   # [B, K, E]
    idx = topKindices.reshape(B, -1)                         # [B, K*E]
    # torch.gather(x, 1, idx repeated over last dim of size 128 == D)
    inp = jnp.take_along_axis(x, idx[:, :, None], axis=1)    # [B, K*E, D]
    inp = inp.reshape(B, K, E, D)
    inp = jnp.einsum('abcd,abc->acd', inp, topKvalues)       # [B, E, D]
    # (rlLoss side computation in torch does not affect the returned output; omitted)
    inp = jnp.transpose(inp, (1, 0, 2))                      # [E, B, D]
    ones = jnp.ones((E, B, 1), dtype=x.dtype)
    h = jnp.concatenate([inp, ones], axis=-1)                # [E, B, D+1]
    h = jnp.einsum('ebd,edh->ebh', h, weight1)               # bmm -> [E, B, H]
    h = jax.nn.gelu(h, approximate=False)                    # torch GELU (erf)
    h = jnp.concatenate([h, ones], axis=-1)                  # [E, B, H+1]
    out = jnp.einsum('ebh,eho->ebo', h, weight2)             # [E, B, O]
    out = jnp.transpose(out, (1, 0, 2))                      # [B, E, O]
    out = jnp.einsum('abc,adb->adbc', out, topKvalues)       # [B, K, E, O]
    out = out.reshape(B, -1, O)                              # [B, K*E, O]
    outputs = jnp.zeros((B, S, O), dtype=x.dtype)
    bidx = jnp.arange(B)[:, None]
    # scatter_add_ along token axis with index repeated over channels (== full-row add)
    outputs = outputs.at[bidx, idx].add(out)
    return outputs

if __name__ == "__main__":
    import jax
    _d = setup_inputs()
    print(jax.jit(kernel)(*tuple(_d.values())))

</pallas_src>

<mosaic_0001>
#map = affine_map<(d0, d1) -> (0)>
#map1 = affine_map<(d0, d1) -> (0, 0)>
module attributes {stable_mosaic.version = 14 : i64} {
  func.func @_scatter_body(%arg0: i32, %arg1: i32, %arg2: memref<4096xi32, #tpu.memory_space<hbm>>, %arg3: memref<4096x128xf32, #tpu.memory_space<hbm>>, %arg4: memref<32768x128xf32, #tpu.memory_space<hbm>>, %arg5: memref<128x128xf32, #tpu.memory_space<vmem>>, %arg6: memref<64xi32, #tpu.memory_space<vmem>>, %arg7: memref<64x128xf32, #tpu.memory_space<vmem>>, %arg8: memref<8192x128xf32, #tpu.memory_space<vmem_shared>>) attributes {dimension_semantics = [#tpu.dimension_semantics<core_parallel>, #tpu.dimension_semantics<subcore_parallel>], iteration_bounds = array<i64: 2, 16>, scalar_prefetch = 0 : i64, scratch_operands = 4 : i64, tpu.core_type = #tpu.core_type<sc_vector_subcore>, window_params = [{transform_indices = #map}, {transform_indices = #map1}, {transform_indices = #map1}]} {
    %scan3A = arith.constant 0 : i32
    %scan3A_0 = arith.constant 0 : i32
    %scan3A_1 = arith.constant 1024 : i32
    %scan3A_2 = arith.addi %scan3A_0, %scan3A_1 : i32
    %scan3A_3 = arith.constant 1 : i32
    scf.for %scan3A_80 = %scan3A_0 to %scan3A_2 step %scan3A_3  : i32 {
      %shift_right_logical3A = arith.constant 3 : i32
      %shift_right_logical3A_81 = arith.shrui %scan3A_80, %shift_right_logical3A : i32
      %and3A = arith.constant 7 : i32
      %and3A_82 = arith.andi %scan3A_80, %and3A : i32
      %broadcast_in_dim3A = arith.constant 0.000000e+00 : f32
      %broadcast_in_dim3A_83 = vector.broadcast %broadcast_in_dim3A : f32 to vector<16xf32>
      %mul3A_84 = arith.constant 16 : i32
      %mul3A_85 = arith.muli %and3A_82, %mul3A_84 : i32
      %swap3A = arith.index_cast %shift_right_logical3A_81 : i32 to index
      %swap3A_86 = arith.index_cast %mul3A_85 : i32 to index
      %swap3A_87 = tpu.vector_load %arg5[%swap3A, %swap3A_86] {strides = array<i32>} : memref<128x128xf32, #tpu.memory_space<vmem>>, vector<1x16xf32>,
      %swap3A_88 = vector.shape_cast %swap3A_87 : vector<1x16xf32> to vector<16xf32>
      %swap3A_89 = vector.shape_cast %broadcast_in_dim3A_83 : vector<16xf32> to vector<1x16xf32>
      tpu.vector_store %arg5[%swap3A, %swap3A_86], %swap3A_89 {strides = array<i32>} : memref<128x128xf32, #tpu.memory_space<vmem>>, vector<1x16xf32>,
    }
    %scan3A_4 = arith.constant 1024 : i32
    %mul3A = arith.constant 2 : i32
    %mul3A_5 = arith.muli %arg0, %mul3A : i32
    %add3A = arith.constant 0 : i32
    %add3A_6 = arith.addi %mul3A_5, %add3A : i32
    %mul3A_7 = arith.constant 64 : i32
    %mul3A_8 = arith.muli %add3A_6, %mul3A_7 : i32
    %mul3A_9 = arith.constant 4 : i32
    %mul3A_10 = arith.muli %arg1, %mul3A_9 : i32
    %add3A_11 = arith.addi %mul3A_8, %mul3A_10 : i32
    %mul3A_12 = arith.constant 16 : i32
    %mul3A_13 = arith.muli %add3A_11, %mul3A_12 : i32
    "tpu.region"() ({
      %run_scoped3A = tpu.sem_alloc : memref<!tpu.dma_semaphore, #tpu.memory_space<semaphore_mem>>
      %dma_start3A = tpu.memref_slice %arg2[%mul3A_13] : memref<4096xi32, #tpu.memory_space<hbm>> -> memref<64xi32, #tpu.memory_space<hbm>>
      %dma_start3A_80 = tpu.memref_slice %arg2[%mul3A_13] : memref<4096xi32, #tpu.memory_space<hbm>> -> memref<64xi32, #tpu.memory_space<hbm>>
      tpu.enqueue_dma source(%dma_start3A_80 : memref<64xi32, #tpu.memory_space<hbm>>) target(%arg6 : memref<64xi32, #tpu.memory_space<vmem>>) target_semaphore(%run_scoped3A : memref<!tpu.dma_semaphore, #tpu.memory_space<semaphore_mem>>)
      %dma_wait3A = tpu.memref_slice %arg2[%mul3A_13] : memref<4096xi32, #tpu.memory_space<hbm>> -> memref<64xi32, #tpu.memory_space<hbm>>
      %dma_wait3A_81 = tpu.memref_slice %arg2[%mul3A_13] : memref<4096xi32, #tpu.memory_space<hbm>> -> memref<64xi32, #tpu.memory_space<hbm>>
      tpu.wait_dma2 semaphore(%run_scoped3A : memref<!tpu.dma_semaphore, #tpu.memory_space<semaphore_mem>>) src(%dma_wait3A_81 : memref<64xi32, #tpu.memory_space<hbm>>) dst(%arg6 : memref<64xi32, #tpu.memory_space<vmem>>)
      tpu.yield
    }) : () -> ()
    %mul3A_14 = arith.constant 16 : i32
    %mul3A_15 = arith.muli %add3A_11, %mul3A_14 : i32
    "tpu.region"() ({
      %run_scoped3A = tpu.sem_alloc : memref<!tpu.dma_semaphore, #tpu.memory_space<semaphore_mem>>
      %dma_start3A = arith.constant 0 : i32
      %dma_start3A_80 = tpu.memref_slice %arg3[%mul3A_15, %dma_start3A] : memref<4096x128xf32, #tpu.memory_space<hbm>> -> memref<64x128xf32, #tpu.memory_space<hbm>>
      %dma_start3A_81 = arith.constant 0 : i32
      %dma_start3A_82 = tpu.memref_slice %arg3[%mul3A_15, %dma_start3A_81] : memref<4096x128xf32, #tpu.memory_space<hbm>> -> memref<64x128xf32, #tpu.memory_space<hbm>>
      tpu.enqueue_dma source(%dma_start3A_82 : memref<64x128xf32, #tpu.memory_space<hbm>>) target(%arg7 : memref<64x128xf32, #tpu.memory_space<vmem>>) target_semaphore(%run_scoped3A : memref<!tpu.dma_semaphore, #tpu.memory_space<semaphore_mem>>)
      %dma_wait3A = arith.constant 0 : i32
      %dma_wait3A_83 = tpu.memref_slice %arg3[%mul3A_15, %dma_wait3A] : memref<4096x128xf32, #tpu.memory_space<hbm>> -> memref<64x128xf32, #tpu.memory_space<hbm>>
      %dma_wait3A_84 = arith.constant 0 : i32
      %dma_wait3A_85 = tpu.memref_slice %arg3[%mul3A_15, %dma_wait3A_84] : memref<4096x128xf32, #tpu.memory_space<hbm>> -> memref<64x128xf32, #tpu.memory_space<hbm>>
      tpu.wait_dma2 semaphore(%run_scoped3A : memref<!tpu.dma_semaphore, #tpu.memory_space<semaphore_mem>>) src(%dma_wait3A_85 : memref<64x128xf32, #tpu.memory_space<hbm>>) dst(%arg7 : memref<64x128xf32, #tpu.memory_space<vmem>>)
      tpu.yield
    }) : () -> ()
    %mul3A_16 = arith.constant 512 : i32
    %mul3A_17 = arith.muli %arg1, %mul3A_16 : i32
    %add3A_18 = arith.constant 0 : i32
    %add3A_19 = arith.addi %mul3A_17, %add3A_18 : i32
    "tpu.region"() ({
      %run_scoped3A = tpu.sem_alloc : memref<!tpu.dma_semaphore, #tpu.memory_space<semaphore_mem>>
      %dma_start3A = arith.constant 0 : i32
      %dma_start3A_80 = tpu.memref_slice %arg8[%add3A_19, %dma_start3A] : memref<8192x128xf32, #tpu.memory_space<vmem_shared>> -> memref<128x128xf32, #tpu.memory_space<vmem_shared>>
      %dma_start3A_81 = arith.constant 0 : i32
      %dma_start3A_82 = tpu.memref_slice %arg8[%add3A_19, %dma_start3A_81] : memref<8192x128xf32, #tpu.memory_space<vmem_shared>> -> memref<128x128xf32, #tpu.memory_space<vmem_shared>>
      tpu.enqueue_dma source(%arg5 : memref<128x128xf32, #tpu.memory_space<vmem>>) target(%dma_start3A_82 : memref<128x128xf32, #tpu.memory_space<vmem_shared>>) target_semaphore(%run_scoped3A : memref<!tpu.dma_semaphore, #tpu.memory_space<semaphore_mem>>)
      %dma_wait3A = arith.constant 0 : i32
      %dma_wait3A_83 = tpu.memref_slice %arg8[%add3A_19, %dma_wait3A] : memref<8192x128xf32, #tpu.memory_space<vmem_shared>> -> memref<128x128xf32, #tpu.memory_space<vmem_shared>>
      %dma_wait3A_84 = arith.constant 0 : i32
      %dma_wait3A_85 = tpu.memref_slice %arg8[%add3A_19, %dma_wait3A_84] : memref<8192x128xf32, #tpu.memory_space<vmem_shared>> -> memref<128x128xf32, #tpu.memory_space<vmem_shared>>
      tpu.wait_dma2 semaphore(%run_scoped3A : memref<!tpu.dma_semaphore, #tpu.memory_space<semaphore_mem>>) src(%arg5 : memref<128x128xf32, #tpu.memory_space<vmem>>) dst(%dma_wait3A_85 : memref<128x128xf32, #tpu.memory_space<vmem_shared>>)
      tpu.yield
    }) : () -> ()
    %mul3A_20 = arith.constant 512 : i32
    %mul3A_21 = arith.muli %arg1, %mul3A_20 : i32
    %add3A_22 = arith.constant 128 : i32
    %add3A_23 = arith.addi %mul3A_21, %add3A_22 : i32
    "tpu.region"() ({
      %run_scoped3A = tpu.sem_alloc : memref<!tpu.dma_semaphore, #tpu.memory_space<semaphore_mem>>
      %dma_start3A = arith.constant 0 : i32
      %dma_start3A_80 = tpu.memref_slice %arg8[%add3A_23, %dma_start3A] : memref<8192x128xf32, #tpu.memory_space<vmem_shared>> -> memref<128x128xf32, #tpu.memory_space<vmem_shared>>
      %dma_start3A_81 = arith.constant 0 : i32
      %dma_start3A_82 = tpu.memref_slice %arg8[%add3A_23, %dma_start3A_81] : memref<8192x128xf32, #tpu.memory_space<vmem_shared>> -> memref<128x128xf32, #tpu.memory_space<vmem_shared>>
      tpu.enqueue_dma source(%arg5 : memref<128x128xf32, #tpu.memory_space<vmem>>) target(%dma_start3A_82 : memref<128x128xf32, #tpu.memory_space<vmem_shared>>) target_semaphore(%run_scoped3A : memref<!tpu.dma_semaphore, #tpu.memory_space<semaphore_mem>>)
      %dma_wait3A = arith.constant 0 : i32
      %dma_wait3A_83 = tpu.memref_slice %arg8[%add3A_23, %dma_wait3A] : memref<8192x128xf32, #tpu.memory_space<vmem_shared>> -> memref<128x128xf32, #tpu.memory_space<vmem_shared>>
      %dma_wait3A_84 = arith.constant 0 : i32
      %dma_wait3A_85 = tpu.memref_slice %arg8[%add3A_23, %dma_wait3A_84] : memref<8192x128xf32, #tpu.memory_space<vmem_shared>> -> memref<128x128xf32, #tpu.memory_space<vmem_shared>>
      tpu.wait_dma2 semaphore(%run_scoped3A : memref<!tpu.dma_semaphore, #tpu.memory_space<semaphore_mem>>) src(%arg5 : memref<128x128xf32, #tpu.memory_space<vmem>>) dst(%dma_wait3A_85 : memref<128x128xf32, #tpu.memory_space<vmem_shared>>)
      tpu.yield
    }) : () -> ()
    %mul3A_24 = arith.constant 512 : i32
    %mul3A_25 = arith.muli %arg1, %mul3A_24 : i32
    %add3A_26 = arith.constant 256 : i32
    %add3A_27 = arith.addi %mul3A_25, %add3A_26 : i32
    "tpu.region"() ({
      %run_scoped3A = tpu.sem_alloc : memref<!tpu.dma_semaphore, #tpu.memory_space<semaphore_mem>>
      %dma_start3A = arith.constant 0 : i32
      %dma_start3A_80 = tpu.memref_slice %arg8[%add3A_27, %dma_start3A] : memref<8192x128xf32, #tpu.memory_space<vmem_shared>> -> memref<128x128xf32, #tpu.memory_space<vmem_shared>>
      %dma_start3A_81 = arith.constant 0 : i32
      %dma_start3A_82 = tpu.memref_slice %arg8[%add3A_27, %dma_start3A_81] : memref<8192x128xf32, #tpu.memory_space<vmem_shared>> -> memref<128x128xf32, #tpu.memory_space<vmem_shared>>
      tpu.enqueue_dma source(%arg5 : memref<128x128xf32, #tpu.memory_space<vmem>>) target(%dma_start3A_82 : memref<128x128xf32, #tpu.memory_space<vmem_shared>>) target_semaphore(%run_scoped3A : memref<!tpu.dma_semaphore, #tpu.memory_space<semaphore_mem>>)
      %dma_wait3A = arith.constant 0 : i32
      %dma_wait3A_83 = tpu.memref_slice %arg8[%add3A_27, %dma_wait3A] : memref<8192x128xf32, #tpu.memory_space<vmem_shared>> -> memref<128x128xf32, #tpu.memory_space<vmem_shared>>
      %dma_wait3A_84 = arith.constant 0 : i32
      %dma_wait3A_85 = tpu.memref_slice %arg8[%add3A_27, %dma_wait3A_84] : memref<8192x128xf32, #tpu.memory_space<vmem_shared>> -> memref<128x128xf32, #tpu.memory_space<vmem_shared>>
      tpu.wait_dma2 semaphore(%run_scoped3A : memref<!tpu.dma_semaphore, #tpu.memory_space<semaphore_mem>>) src(%arg5 : memref<128x128xf32, #tpu.memory_space<vmem>>) dst(%dma_wait3A_85 : memref<128x128xf32, #tpu.memory_space<vmem_shared>>)
      tpu.yield
    }) : () -> ()
    %mul3A_28 = arith.constant 512 : i32
    %mul3A_29 = arith.muli %arg1, %mul3A_28 : i32
    %add3A_30 = arith.constant 384 : i32
    %add3A_31 = arith.addi %mul3A_29, %add3A_30 : i32
    "tpu.region"() ({
      %run_scoped3A = tpu.sem_alloc : memref<!tpu.dma_semaphore, #tpu.memory_space<semaphore_mem>>
      %dma_start3A = arith.constant 0 : i32
      %dma_start3A_80 = tpu.memref_slice %arg8[%add3A_31, %dma_start3A] : memref<8192x128xf32, #tpu.memory_space<vmem_shared>> -> memref<128x128xf32, #tpu.memory_space<vmem_shared>>
      %dma_start3A_81 = arith.constant 0 : i32
      %dma_start3A_82 = tpu.memref_slice %arg8[%add3A_31, %dma_start3A_81] : memref<8192x128xf32, #tpu.memory_space<vmem_shared>> -> memref<128x128xf32, #tpu.memory_space<vmem_shared>>
      tpu.enqueue_dma source(%arg5 : memref<128x128xf32, #tpu.memory_space<vmem>>) target(%dma_start3A_82 : memref<128x128xf32, #tpu.memory_space<vmem_shared>>) target_semaphore(%run_scoped3A : memref<!tpu.dma_semaphore, #tpu.memory_space<semaphore_mem>>)
      %dma_wait3A = arith.constant 0 : i32
      %dma_wait3A_83 = tpu.memref_slice %arg8[%add3A_31, %dma_wait3A] : memref<8192x128xf32, #tpu.memory_space<vmem_shared>> -> memref<128x128xf32, #tpu.memory_space<vmem_shared>>
      %dma_wait3A_84 = arith.constant 0 : i32
      %dma_wait3A_85 = tpu.memref_slice %arg8[%add3A_31, %dma_wait3A_84] : memref<8192x128xf32, #tpu.memory_space<vmem_shared>> -> memref<128x128xf32, #tpu.memory_space<vmem_shared>>
      tpu.wait_dma2 semaphore(%run_scoped3A : memref<!tpu.dma_semaphore, #tpu.memory_space<semaphore_mem>>) src(%arg5 : memref<128x128xf32, #tpu.memory_space<vmem>>) dst(%dma_wait3A_85 : memref<128x128xf32, #tpu.memory_space<vmem_shared>>)
      tpu.yield
    }) : () -> ()
    %barrier3A = arith.constant 0 : index
    tpu.barrier barrier_id(%barrier3A)
    "tpu.region"() ({
      %run_scoped3A = tpu.sem_alloc : memref<!tpu.dma_semaphore, #tpu.memory_space<semaphore_mem>>
      %dma_start3A = arith.constant 0 : i32
      %dma_start3A_80 = arith.constant 0 : i32
      %dma_start3A_81 = tpu.memref_slice %arg8[%dma_start3A, %dma_start3A_80] : memref<8192x128xf32, #tpu.memory_space<vmem_shared>> -> memref<8192x128xf32, #tpu.memory_space<vmem_shared>>
      tpu.enqueue_indirect_dma source(%arg7 : memref<64x128xf32, #tpu.memory_space<vmem>>) target(%dma_start3A_81 : memref<8192x128xf32, #tpu.memory_space<vmem_shared>>) offsets(%arg6 : memref<64xi32, #tpu.memory_space<vmem>>) semaphore(%run_scoped3A : memref<!tpu.dma_semaphore, #tpu.memory_space<semaphore_mem>>) {add = true}
      %dma_wait3A = arith.constant 0 : i32
      %dma_wait3A_82 = arith.constant 0 : i32
      %dma_wait3A_83 = tpu.memref_slice %arg8[%dma_wait3A, %dma_wait3A_82] : memref<8192x128xf32, #tpu.memory_space<vmem_shared>> -> memref<8192x128xf32, #tpu.memory_space<vmem_shared>>
      tpu.wait_indirect_dma semaphore(%run_scoped3A : memref<!tpu.dma_semaphore, #tpu.memory_space<semaphore_mem>>) src(%arg7 : memref<64x128xf32, #tpu.memory_space<vmem>>) dst(%dma_wait3A_83 : memref<8192x128xf32, #tpu.memory_space<vmem_shared>>)
      tpu.yield
    }) : () -> ()
    %barrier3A_32 = arith.constant 0 : index
    tpu.barrier barrier_id(%barrier3A_32)
    %mul3A_33 = arith.constant 512 : i32
    %mul3A_34 = arith.muli %arg1, %mul3A_33 : i32
    %mul3A_35 = arith.constant 8192 : i32
    %mul3A_36 = arith.muli %add3A_6, %mul3A_35 : i32
    %mul3A_37 = arith.constant 512 : i32
    %mul3A_38 = arith.muli %arg1, %mul3A_37 : i32
    %add3A_39 = arith.addi %mul3A_36, %mul3A_38 : i32
    "tpu.region"() ({
      %run_scoped3A = tpu.sem_alloc : memref<!tpu.dma_semaphore, #tpu.memory_space<semaphore_mem>>
      %dma_start3A = arith.constant 0 : i32
      %dma_start3A_80 = tpu.memref_slice %arg4[%add3A_39, %dma_start3A] : memref<32768x128xf32, #tpu.memory_space<hbm>> -> memref<512x128xf32, #tpu.memory_space<hbm>>
      %dma_start3A_81 = arith.constant 0 : i32
      %dma_start3A_82 = tpu.memref_slice %arg8[%mul3A_34, %dma_start3A_81] : memref<8192x128xf32, #tpu.memory_space<vmem_shared>> -> memref<512x128xf32, #tpu.memory_space<vmem_shared>>
      tpu.enqueue_dma source(%dma_start3A_82 : memref<512x128xf32, #tpu.memory_space<vmem_shared>>) target(%dma_start3A_80 : memref<512x128xf32, #tpu.memory_space<hbm>>) target_semaphore(%run_scoped3A : memref<!tpu.dma_semaphore, #tpu.memory_space<semaphore_mem>>)
      %dma_wait3A = arith.constant 0 : i32
      %dma_wait3A_83 = tpu.memref_slice %arg4[%add3A_39, %dma_wait3A] : memref<32768x128xf32, #tpu.memory_space<hbm>> -> memref<512x128xf32, #tpu.memory_space<hbm>>
      %dma_wait3A_84 = arith.constant 0 : i32
      %dma_wait3A_85 = tpu.memref_slice %arg8[%mul3A_34, %dma_wait3A_84] : memref<8192x128xf32, #tpu.memory_space<vmem_shared>> -> memref<512x128xf32, #tpu.memory_space<vmem_shared>>
      tpu.wait_dma2 semaphore(%run_scoped3A : memref<!tpu.dma_semaphore, #tpu.memory_space<semaphore_mem>>) src(%dma_wait3A_85 : memref<512x128xf32, #tpu.memory_space<vmem_shared>>) dst(%dma_wait3A_83 : memref<512x128xf32, #tpu.memory_space<hbm>>)
      tpu.yield
    }) : () -> ()
    %barrier3A_40 = arith.constant 0 : index
    tpu.barrier barrier_id(%barrier3A_40)
    %mul3A_41 = arith.constant 2 : i32
    %mul3A_42 = arith.muli %arg0, %mul3A_41 : i32
    %add3A_43 = arith.constant 1 : i32
    %add3A_44 = arith.addi %mul3A_42, %add3A_43 : i32
    %mul3A_45 = arith.constant 64 : i32
    %mul3A_46 = arith.muli %add3A_44, %mul3A_45 : i32
    %mul3A_47 = arith.constant 4 : i32
    %mul3A_48 = arith.muli %arg1, %mul3A_47 : i32
    %add3A_49 = arith.addi %mul3A_46, %mul3A_48 : i32
    %mul3A_50 = arith.constant 16 : i32
    %mul3A_51 = arith.muli %add3A_49, %mul3A_50 : i32
    "tpu.region"() ({
      %run_scoped3A = tpu.sem_alloc : memref<!tpu.dma_semaphore, #tpu.memory_space<semaphore_mem>>
      %dma_start3A = tpu.memref_slice %arg2[%mul3A_51] : memref<4096xi32, #tpu.memory_space<hbm>> -> memref<64xi32, #tpu.memory_space<hbm>>
      %dma_start3A_80 = tpu.memref_slice %arg2[%mul3A_51] : memref<4096xi32, #tpu.memory_space<hbm>> -> memref<64xi32, #tpu.memory_space<hbm>>
      tpu.enqueue_dma source(%dma_start3A_80 : memref<64xi32, #tpu.memory_space<hbm>>) target(%arg6 : memref<64xi32, #tpu.memory_space<vmem>>) target_semaphore(%run_scoped3A : memref<!tpu.dma_semaphore, #tpu.memory_space<semaphore_mem>>)
      %dma_wait3A = tpu.memref_slice %arg2[%mul3A_51] : memref<4096xi32, #tpu.memory_space<hbm>> -> memref<64xi32, #tpu.memory_space<hbm>>
      %dma_wait3A_81 = tpu.memref_slice %arg2[%mul3A_51] : memref<4096xi32, #tpu.memory_space<hbm>> -> memref<64xi32, #tpu.memory_space<hbm>>
      tpu.wait_dma2 semaphore(%run_scoped3A : memref<!tpu.dma_semaphore, #tpu.memory_space<semaphore_mem>>) src(%dma_wait3A_81 : memref<64xi32, #tpu.memory_space<hbm>>) dst(%arg6 : memref<64xi32, #tpu.memory_space<vmem>>)
      tpu.yield
    }) : () -> ()
    %mul3A_52 = arith.constant 16 : i32
    %mul3A_53 = arith.muli %add3A_49, %mul3A_52 : i32
    "tpu.region"() ({
      %run_scoped3A = tpu.sem_alloc : memref<!tpu.dma_semaphore, #tpu.memory_space<semaphore_mem>>
      %dma_start3A = arith.constant 0 : i32
      %dma_start3A_80 = tpu.memref_slice %arg3[%mul3A_53, %dma_start3A] : memref<4096x128xf32, #tpu.memory_space<hbm>> -> memref<64x128xf32, #tpu.memory_space<hbm>>
      %dma_start3A_81 = arith.constant 0 : i32
      %dma_start3A_82 = tpu.memref_slice %arg3[%mul3A_53, %dma_start3A_81] : memref<4096x128xf32, #tpu.memory_space<hbm>> -> memref<64x128xf32, #tpu.memory_space<hbm>>
      tpu.enqueue_dma source(%dma_start3A_82 : memref<64x128xf32, #tpu.memory_space<hbm>>) target(%arg7 : memref<64x128xf32, #tpu.memory_space<vmem>>) target_semaphore(%run_scoped3A : memref<!tpu.dma_semaphore, #tpu.memory_space<semaphore_mem>>)
      %dma_wait3A = arith.constant 0 : i32
      %dma_wait3A_83 = tpu.memref_slice %arg3[%mul3A_53, %dma_wait3A] : memref<4096x128xf32, #tpu.memory_space<hbm>> -> memref<64x128xf32, #tpu.memory_space<hbm>>
      %dma_wait3A_84 = arith.constant 0 : i32
      %dma_wait3A_85 = tpu.memref_slice %arg3[%mul3A_53, %dma_wait3A_84] : memref<4096x128xf32, #tpu.memory_space<hbm>> -> memref<64x128xf32, #tpu.memory_space<hbm>>
      tpu.wait_dma2 semaphore(%run_scoped3A : memref<!tpu.dma_semaphore, #tpu.memory_space<semaphore_mem>>) src(%dma_wait3A_85 : memref<64x128xf32, #tpu.memory_space<hbm>>) dst(%arg7 : memref<64x128xf32, #tpu.memory_space<vmem>>)
      tpu.yield
    }) : () -> ()
    %mul3A_54 = arith.constant 512 : i32
    %mul3A_55 = arith.muli %arg1, %mul3A_54 : i32
    %add3A_56 = arith.constant 0 : i32
    %add3A_57 = arith.addi %mul3A_55, %add3A_56 : i32
    "tpu.region"() ({
      %run_scoped3A = tpu.sem_alloc : memref<!tpu.dma_semaphore, #tpu.memory_space<semaphore_mem>>
      %dma_start3A = arith.constant 0 : i32
      %dma_start3A_80 = tpu.memref_slice %arg8[%add3A_57, %dma_start3A] : memref<8192x128xf32, #tpu.memory_space<vmem_shared>> -> memref<128x128xf32, #tpu.memory_space<vmem_shared>>
      %dma_start3A_81 = arith.constant 0 : i32
      %dma_start3A_82 = tpu.memref_slice %arg8[%add3A_57, %dma_start3A_81] : memref<8192x128xf32, #tpu.memory_space<vmem_shared>> -> memref<128x128xf32, #tpu.memory_space<vmem_shared>>
      tpu.enqueue_dma source(%arg5 : memref<128x128xf32, #tpu.memory_space<vmem>>) target(%dma_start3A_82 : memref<128x128xf32, #tpu.memory_space<vmem_shared>>) target_semaphore(%run_scoped3A : memref<!tpu.dma_semaphore, #tpu.memory_space<semaphore_mem>>)
      %dma_wait3A = arith.constant 0 : i32
      %dma_wait3A_83 = tpu.memref_slice %arg8[%add3A_57, %dma_wait3A] : memref<8192x128xf32, #tpu.memory_space<vmem_shared>> -> memref<128x128xf32, #tpu.memory_space<vmem_shared>>
      %dma_wait3A_84 = arith.constant 0 : i32
      %dma_wait3A_85 = tpu.memref_slice %arg8[%add3A_57, %dma_wait3A_84] : memref<8192x128xf32, #tpu.memory_space<vmem_shared>> -> memref<128x128xf32, #tpu.memory_space<vmem_shared>>
      tpu.wait_dma2 semaphore(%run_scoped3A : memref<!tpu.dma_semaphore, #tpu.memory_space<semaphore_mem>>) src(%arg5 : memref<128x128xf32, #tpu.memory_space<vmem>>) dst(%dma_wait3A_85 : memref<128x128xf32, #tpu.memory_space<vmem_shared>>)
      tpu.yield
    }) : () -> ()
    %mul3A_58 = arith.constant 512 : i32
    %mul3A_59 = arith.muli %arg1, %mul3A_58 : i32
    %add3A_60 = arith.constant 128 : i32
    %add3A_61 = arith.addi %mul3A_59, %add3A_60 : i32
    "tpu.region"() ({
      %run_scoped3A = tpu.sem_alloc : memref<!tpu.dma_semaphore, #tpu.memory_space<semaphore_mem>>
      %dma_start3A = arith.constant 0 : i32
      %dma_start3A_80 = tpu.memref_slice %arg8[%add3A_61, %dma_start3A] : memref<8192x128xf32, #tpu.memory_space<vmem_shared>> -> memref<128x128xf32, #tpu.memory_space<vmem_shared>>
      %dma_start3A_81 = arith.constant 0 : i32
      %dma_start3A_82 = tpu.memref_slice %arg8[%add3A_61, %dma_start3A_81] : memref<8192x128xf32, #tpu.memory_space<vmem_shared>> -> memref<128x128xf32, #tpu.memory_space<vmem_shared>>
      tpu.enqueue_dma source(%arg5 : memref<128x128xf32, #tpu.memory_space<vmem>>) target(%dma_start3A_82 : memref<128x128xf32, #tpu.memory_space<vmem_shared>>) target_semaphore(%run_scoped3A : memref<!tpu.dma_semaphore, #tpu.memory_space<semaphore_mem>>)
      %dma_wait3A = arith.constant 0 : i32
      %dma_wait3A_83 = tpu.memref_slice %arg8[%add3A_61, %dma_wait3A] : memref<8192x128xf32, #tpu.memory_space<vmem_shared>> -> memref<128x128xf32, #tpu.memory_space<vmem_shared>>
      %dma_wait3A_84 = arith.constant 0 : i32
      %dma_wait3A_85 = tpu.memref_slice %arg8[%add3A_61, %dma_wait3A_84] : memref<8192x128xf32, #tpu.memory_space<vmem_shared>> -> memref<128x128xf32, #tpu.memory_space<vmem_shared>>
      tpu.wait_dma2 semaphore(%run_scoped3A : memref<!tpu.dma_semaphore, #tpu.memory_space<semaphore_mem>>) src(%arg5 : memref<128x128xf32, #tpu.memory_space<vmem>>) dst(%dma_wait3A_85 : memref<128x128xf32, #tpu.memory_space<vmem_shared>>)
      tpu.yield
    }) : () -> ()
    %mul3A_62 = arith.constant 512 : i32
    %mul3A_63 = arith.muli %arg1, %mul3A_62 : i32
    %add3A_64 = arith.constant 256 : i32
    %add3A_65 = arith.addi %mul3A_63, %add3A_64 : i32
    "tpu.region"() ({
      %run_scoped3A = tpu.sem_alloc : memref<!tpu.dma_semaphore, #tpu.memory_space<semaphore_mem>>
      %dma_start3A = arith.constant 0 : i32
      %dma_start3A_80 = tpu.memref_slice %arg8[%add3A_65, %dma_start3A] : memref<8192x128xf32, #tpu.memory_space<vmem_shared>> -> memref<128x128xf32, #tpu.memory_space<vmem_shared>>
      %dma_start3A_81 = arith.constant 0 : i32
      %dma_start3A_82 = tpu.memref_slice %arg8[%add3A_65, %dma_start3A_81] : memref<8192x128xf32, #tpu.memory_space<vmem_shared>> -> memref<128x128xf32, #tpu.memory_space<vmem_shared>>
      tpu.enqueue_dma source(%arg5 : memref<128x128xf32, #tpu.memory_space<vmem>>) target(%dma_start3A_82 : memref<128x128xf32, #tpu.memory_space<vmem_shared>>) target_semaphore(%run_scoped3A : memref<!tpu.dma_semaphore, #tpu.memory_space<semaphore_mem>>)
      %dma_wait3A = arith.constant 0 : i32
      %dma_wait3A_83 = tpu.memref_slice %arg8[%add3A_65, %dma_wait3A] : memref<8192x128xf32, #tpu.memory_space<vmem_shared>> -> memref<128x128xf32, #tpu.memory_space<vmem_shared>>
      %dma_wait3A_84 = arith.constant 0 : i32
      %dma_wait3A_85 = tpu.memref_slice %arg8[%add3A_65, %dma_wait3A_84] : memref<8192x128xf32, #tpu.memory_space<vmem_shared>> -> memref<128x128xf32, #tpu.memory_space<vmem_shared>>
      tpu.wait_dma2 semaphore(%run_scoped3A : memref<!tpu.dma_semaphore, #tpu.memory_space<semaphore_mem>>) src(%arg5 : memref<128x128xf32, #tpu.memory_space<vmem>>) dst(%dma_wait3A_85 : memref<128x128xf32, #tpu.memory_space<vmem_shared>>)
      tpu.yield
    }) : () -> ()
    %mul3A_66 = arith.constant 512 : i32
    %mul3A_67 = arith.muli %arg1, %mul3A_66 : i32
    %add3A_68 = arith.constant 384 : i32
    %add3A_69 = arith.addi %mul3A_67, %add3A_68 : i32
    "tpu.region"() ({
      %run_scoped3A = tpu.sem_alloc : memref<!tpu.dma_semaphore, #tpu.memory_space<semaphore_mem>>
      %dma_start3A = arith.constant 0 : i32
      %dma_start3A_80 = tpu.memref_slice %arg8[%add3A_69, %dma_start3A] : memref<8192x128xf32, #tpu.memory_space<vmem_shared>> -> memref<128x128xf32, #tpu.memory_space<vmem_shared>>
      %dma_start3A_81 = arith.constant 0 : i32
      %dma_start3A_82 = tpu.memref_slice %arg8[%add3A_69, %dma_start3A_81] : memref<8192x128xf32, #tpu.memory_space<vmem_shared>> -> memref<128x128xf32, #tpu.memory_space<vmem_shared>>
      tpu.enqueue_dma source(%arg5 : memref<128x128xf32, #tpu.memory_space<vmem>>) target(%dma_start3A_82 : memref<128x128xf32, #tpu.memory_space<vmem_shared>>) target_semaphore(%run_scoped3A : memref<!tpu.dma_semaphore, #tpu.memory_space<semaphore_mem>>)
      %dma_wait3A = arith.constant 0 : i32
      %dma_wait3A_83 = tpu.memref_slice %arg8[%add3A_69, %dma_wait3A] : memref<8192x128xf32, #tpu.memory_space<vmem_shared>> -> memref<128x128xf32, #tpu.memory_space<vmem_shared>>
      %dma_wait3A_84 = arith.constant 0 : i32
      %dma_wait3A_85 = tpu.memref_slice %arg8[%add3A_69, %dma_wait3A_84] : memref<8192x128xf32, #tpu.memory_space<vmem_shared>> -> memref<128x128xf32, #tpu.memory_space<vmem_shared>>
      tpu.wait_dma2 semaphore(%run_scoped3A : memref<!tpu.dma_semaphore, #tpu.memory_space<semaphore_mem>>) src(%arg5 : memref<128x128xf32, #tpu.memory_space<vmem>>) dst(%dma_wait3A_85 : memref<128x128xf32, #tpu.memory_space<vmem_shared>>)
      tpu.yield
    }) : () -> ()
    %barrier3A_70 = arith.constant 0 : index
    tpu.barrier barrier_id(%barrier3A_70)
    "tpu.region"() ({
      %run_scoped3A = tpu.sem_alloc : memref<!tpu.dma_semaphore, #tpu.memory_space<semaphore_mem>>
      %dma_start3A = arith.constant 0 : i32
      %dma_start3A_80 = arith.constant 0 : i32
      %dma_start3A_81 = tpu.memref_slice %arg8[%dma_start3A, %dma_start3A_80] : memref<8192x128xf32, #tpu.memory_space<vmem_shared>> -> memref<8192x128xf32, #tpu.memory_space<vmem_shared>>
      tpu.enqueue_indirect_dma source(%arg7 : memref<64x128xf32, #tpu.memory_space<vmem>>) target(%dma_start3A_81 : memref<8192x128xf32, #tpu.memory_space<vmem_shared>>) offsets(%arg6 : memref<64xi32, #tpu.memory_space<vmem>>) semaphore(%run_scoped3A : memref<!tpu.dma_semaphore, #tpu.memory_space<semaphore_mem>>) {add = true}
      %dma_wait3A = arith.constant 0 : i32
      %dma_wait3A_82 = arith.constant 0 : i32
      %dma_wait3A_83 = tpu.memref_slice %arg8[%dma_wait3A, %dma_wait3A_82] : memref<8192x128xf32, #tpu.memory_space<vmem_shared>> -> memref<8192x128xf32, #tpu.memory_space<vmem_shared>>
      tpu.wait_indirect_dma semaphore(%run_scoped3A : memref<!tpu.dma_semaphore, #tpu.memory_space<semaphore_mem>>) src(%arg7 : memref<64x128xf32, #tpu.memory_space<vmem>>) dst(%dma_wait3A_83 : memref<8192x128xf32, #tpu.memory_space<vmem_shared>>)
      tpu.yield
    }) : () -> ()
    %barrier3A_71 = arith.constant 0 : index
    tpu.barrier barrier_id(%barrier3A_71)
    %mul3A_72 = arith.constant 512 : i32
    %mul3A_73 = arith.muli %arg1, %mul3A_72 : i32
    %mul3A_74 = arith.constant 8192 : i32
    %mul3A_75 = arith.muli %add3A_44, %mul3A_74 : i32
    %mul3A_76 = arith.constant 512 : i32
    %mul3A_77 = arith.muli %arg1, %mul3A_76 : i32
    %add3A_78 = arith.addi %mul3A_75, %mul3A_77 : i32
    "tpu.region"() ({
      %run_scoped3A = tpu.sem_alloc : memref<!tpu.dma_semaphore, #tpu.memory_space<semaphore_mem>>
      %dma_start3A = arith.constant 0 : i32
      %dma_start3A_80 = tpu.memref_slice %arg4[%add3A_78, %dma_start3A] : memref<32768x128xf32, #tpu.memory_space<hbm>> -> memref<512x128xf32, #tpu.memory_space<hbm>>
      %dma_start3A_81 = arith.constant 0 : i32
      %dma_start3A_82 = tpu.memref_slice %arg8[%mul3A_73, %dma_start3A_81] : memref<8192x128xf32, #tpu.memory_space<vmem_shared>> -> memref<512x128xf32, #tpu.memory_space<vmem_shared>>
      tpu.enqueue_dma source(%dma_start3A_82 : memref<512x128xf32, #tpu.memory_space<vmem_shared>>) target(%dma_start3A_80 : memref<512x128xf32, #tpu.memory_space<hbm>>) target_semaphore(%run_scoped3A : memref<!tpu.dma_semaphore, #tpu.memory_space<semaphore_mem>>)
      %dma_wait3A = arith.constant 0 : i32
      %dma_wait3A_83 = tpu.memref_slice %arg4[%add3A_78, %dma_wait3A] : memref<32768x128xf32, #tpu.memory_space<hbm>> -> memref<512x128xf32, #tpu.memory_space<hbm>>
      %dma_wait3A_84 = arith.constant 0 : i32
      %dma_wait3A_85 = tpu.memref_slice %arg8[%mul3A_73, %dma_wait3A_84] : memref<8192x128xf32, #tpu.memory_space<vmem_shared>> -> memref<512x128xf32, #tpu.memory_space<vmem_shared>>
      tpu.wait_dma2 semaphore(%run_scoped3A : memref<!tpu.dma_semaphore, #tpu.memory_space<semaphore_mem>>) src(%dma_wait3A_85 : memref<512x128xf32, #tpu.memory_space<vmem_shared>>) dst(%dma_wait3A_83 : memref<512x128xf32, #tpu.memory_space<hbm>>)
      tpu.yield
    }) : () -> ()
    %barrier3A_79 = arith.constant 0 : index
    tpu.barrier barrier_id(%barrier3A_79)
    return
  }
}

module attributes {stable_mosaic.version = 14 : i64} {
  func.func @_gate_body(%arg0: i32, %arg1: memref<1x8192x128xf32, #tpu.memory_space<vmem>>, %arg2: memref<64x128xf32, #tpu.memory_space<vmem>>, %arg3: memref<64x1xf32, #tpu.memory_space<vmem>>, %arg4: memref<1x64x16xi32, #tpu.memory_space<vmem>>, %arg5: memref<1x64x16xf32, #tpu.memory_space<vmem>>, %arg6: memref<1x64x128xf32, #tpu.memory_space<vmem>>) attributes {dimension_semantics = [#tpu.dimension_semantics<arbitrary>], iteration_bounds = array<i64: 4>, scalar_prefetch = 0 : i64, scratch_operands = 0 : i64, tpu.core_type = #tpu.core_type<tc>, window_params = [{transform_indices = @transform_0, window_bounds = array<i64: 1, 8192, 128>}, {pipeline_mode = #tpu.pipeline_mode<synchronous>, transform_indices = @transform_1, window_bounds = array<i64: 64, 128>}, {pipeline_mode = #tpu.pipeline_mode<synchronous>, transform_indices = @transform_2, window_bounds = array<i64: 64, 1>}, {transform_indices = @transform_3, window_bounds = array<i64: 1, 64, 16>}, {transform_indices = @transform_4, window_bounds = array<i64: 1, 64, 16>}, {transform_indices = @transform_5, window_bounds = array<i64: 1, 64, 128>}]} {
    %get3A = arith.constant 0 : index
    %get3A_0 = arith.constant 0 : index
    %get3A_1 = arith.constant 0 : index
    %get3A_2 = vector.load %arg1[%get3A, %get3A_0, %get3A_1] : memref<1x8192x128xf32, #tpu.memory_space<vmem>>, vector<1x8192x128xf32>
    %get3A_3 = vector.shape_cast %get3A_2 : vector<1x8192x128xf32> to vector<8192x128xf32>
    %get3A_4 = arith.constant 0 : index
    %get3A_5 = arith.constant 0 : index
    %get3A_6 = vector.load %arg2[%get3A_4, %get3A_5] : memref<64x128xf32, #tpu.memory_space<vmem>>, vector<64x128xf32>
    %dot_general3A = arith.constant dense<0.000000e+00> : vector<64x8192xf32>
    %dot_general3A_7 = tpu.matmul %get3A_6, %get3A_3, %dot_general3A {dimension_numbers = #tpu.dot_dimension_numbers<[1], [1], [0], [0], [0, 0, 1, 0], [], []>, transpose_lhs_hint = false} : vector<64x128xf32>, vector<8192x128xf32>, vector<64x8192xf32> -> vector<64x8192xf32>
    %get3A_8 = arith.constant 0 : index
    %get3A_9 = arith.constant 0 : index
    %get3A_10 = vector.load %arg3[%get3A_8, %get3A_9] : memref<64x1xf32, #tpu.memory_space<vmem>>, vector<64x1xf32>
    %add3A = vector.broadcast %get3A_10 : vector<64x1xf32> to vector<64x8192xf32>
    %add3A_11 = arith.addf %dot_general3A_7, %add3A : vector<64x8192xf32>
    %reduce_max3A = arith.constant dense<0xFF800000> : vector<64xf32>
    %reduce_max3A_12 = vector.multi_reduction <maximumf>, %add3A_11, %reduce_max3A [1] : vector<64x8192xf32> to vector<64xf32>
    %broadcast_in_dim3A = vector.shape_cast %reduce_max3A_12 : vector<64xf32> to vector<64x1xf32>
    %sub3A = vector.broadcast %broadcast_in_dim3A : vector<64x1xf32> to vector<64x8192xf32>
    %sub3A_13 = arith.subf %add3A_11, %sub3A : vector<64x8192xf32>
    %exp3A = math.exp %sub3A_13 : vector<64x8192xf32>
    %reduce_sum3A = arith.constant dense<0.000000e+00> : vector<64xf32>
    %reduce_sum3A_14 = vector.multi_reduction <add>, %exp3A, %reduce_sum3A [1] : vector<64x8192xf32> to vector<64xf32>
    %broadcast_in_dim3A_15 = vector.shape_cast %reduce_sum3A_14 : vector<64xf32> to vector<64x1xf32>
    %div3A = arith.constant 1.000000e+00 : f32
    %div3A_16 = vector.broadcast %div3A : f32 to vector<64x1xf32>
    %div3A_17 = arith.divf %div3A_16, %broadcast_in_dim3A_15 : vector<64x1xf32>
    %iota3A = tpu.iota {dimensions = array<i32: 1>} : vector<64x8192xi32>
    %iota3A_18 = tpu.iota {dimensions = array<i32: 1>} : vector<64x16xi32>
    %broadcast_in_dim3A_19 = arith.constant 0.000000e+00 : f32
    %broadcast_in_dim3A_20 = vector.broadcast %broadcast_in_dim3A_19 : f32 to vector<64x8192xf32>
    %broadcast_in_dim3A_21 = arith.constant 0 : i32
    %broadcast_in_dim3A_22 = vector.broadcast %broadcast_in_dim3A_21 : i32 to vector<64x16xi32>
    %broadcast_in_dim3A_23 = arith.constant 0.000000e+00 : f32
    %broadcast_in_dim3A_24 = vector.broadcast %broadcast_in_dim3A_23 : f32 to vector<64x16xf32>
    %reduce_max3A_25 = arith.constant dense<0xFF800000> : vector<64xf32>
    %reduce_max3A_26 = vector.multi_reduction <maximumf>, %add3A_11, %reduce_max3A_25 [1] : vector<64x8192xf32> to vector<64xf32>
    %broadcast_in_dim3A_27 = vector.shape_cast %reduce_max3A_26 : vector<64xf32> to vector<64x1xf32>
    %eq3A = vector.broadcast %broadcast_in_dim3A_27 : vector<64x1xf32> to vector<64x8192xf32>
    %eq3A_28 = arith.cmpf oeq, %add3A_11, %eq3A : vector<64x8192xf32>
    %jit3A = arith.constant 8192 : i32
    %broadcast_in_dim3A_29 = vector.broadcast %jit3A : i32 to vector<64x8192xi32>
    %select_n3A = arith.select %eq3A_28, %iota3A, %broadcast_in_dim3A_29 : vector<64x8192xi1>, vector<64x8192xi32>
    %reduce_min3A = arith.constant dense<2147483647> : vector<64xi32>
    %reduce_min3A_30 = vector.multi_reduction <minsi>, %select_n3A, %reduce_min3A [1] : vector<64x8192xi32> to vector<64xi32>
    %broadcast_in_dim3A_31 = vector.shape_cast %reduce_min3A_30 : vector<64xi32> to vector<64x1xi32>
    %eq3A_32 = vector.broadcast %broadcast_in_dim3A_31 : vector<64x1xi32> to vector<64x8192xi32>
    %eq3A_33 = arith.cmpi eq, %iota3A, %eq3A_32 : vector<64x8192xi32>
    %sub3A_34 = arith.subf %broadcast_in_dim3A_27, %broadcast_in_dim3A : vector<64x1xf32>
    %exp3A_35 = math.exp %sub3A_34 : vector<64x1xf32>
    %mul3A = arith.mulf %exp3A_35, %div3A_17 : vector<64x1xf32>
    %broadcast_in_dim3A_36 = vector.shape_cast %mul3A : vector<64x1xf32> to vector<64x1xf32>
    %broadcast_in_dim3A_37 = vector.broadcast %broadcast_in_dim3A_36 : vector<64x1xf32> to vector<64x8192xf32>
    %select_n3A_38 = arith.select %eq3A_33, %broadcast_in_dim3A_37, %broadcast_in_dim3A_20 : vector<64x8192xi1>, vector<64x8192xf32>
    %jit3A_39 = arith.constant 0xFF800000 : f32
    %broadcast_in_dim3A_40 = vector.broadcast %jit3A_39 : f32 to vector<64x8192xf32>
    %select_n3A_41 = arith.select %eq3A_33, %broadcast_in_dim3A_40, %add3A_11 : vector<64x8192xi1>, vector<64x8192xf32>
    %eq3A_42 = arith.constant 0 : i32
    %eq3A_43 = vector.broadcast %eq3A_42 : i32 to vector<64x16xi32>
    %eq3A_44 = arith.cmpi eq, %iota3A_18, %eq3A_43 : vector<64x16xi32>
    %broadcast_in_dim3A_45 = vector.shape_cast %broadcast_in_dim3A_31 : vector<64x1xi32> to vector<64x1xi32>
    %broadcast_in_dim3A_46 = vector.broadcast %broadcast_in_dim3A_45 : vector<64x1xi32> to vector<64x16xi32>
    %select_n3A_47 = arith.select %eq3A_44, %broadcast_in_dim3A_46, %broadcast_in_dim3A_22 : vector<64x16xi1>, vector<64x16xi32>
    %eq3A_48 = arith.constant 0 : i32
    %eq3A_49 = vector.broadcast %eq3A_48 : i32 to vector<64x16xi32>
    %eq3A_50 = arith.cmpi eq, %iota3A_18, %eq3A_49 : vector<64x16xi32>
    %broadcast_in_dim3A_51 = vector.shape_cast %mul3A : vector<64x1xf32> to vector<64x1xf32>
    %broadcast_in_dim3A_52 = vector.broadcast %broadcast_in_dim3A_51 : vector<64x1xf32> to vector<64x16xf32>
    %select_n3A_53 = arith.select %eq3A_50, %broadcast_in_dim3A_52, %broadcast_in_dim3A_24 : vector<64x16xi1>, vector<64x16xf32>
    %reduce_max3A_54 = arith.constant dense<0xFF800000> : vector<64xf32>
    %reduce_max3A_55 = vector.multi_reduction <maximumf>, %select_n3A_41, %reduce_max3A_54 [1] : vector<64x8192xf32> to vector<64xf32>
    %broadcast_in_dim3A_56 = vector.shape_cast %reduce_max3A_55 : vector<64xf32> to vector<64x1xf32>
    %eq3A_57 = vector.broadcast %broadcast_in_dim3A_56 : vector<64x1xf32> to vector<64x8192xf32>
    %eq3A_58 = arith.cmpf oeq, %select_n3A_41, %eq3A_57 : vector<64x8192xf32>
    %jit3A_59 = arith.constant 8192 : i32
    %broadcast_in_dim3A_60 = vector.broadcast %jit3A_59 : i32 to vector<64x8192xi32>
    %select_n3A_61 = arith.select %eq3A_58, %iota3A, %broadcast_in_dim3A_60 : vector<64x8192xi1>, vector<64x8192xi32>
    %reduce_min3A_62 = arith.constant dense<2147483647> : vector<64xi32>
    %reduce_min3A_63 = vector.multi_reduction <minsi>, %select_n3A_61, %reduce_min3A_62 [1] : vector<64x8192xi32> to vector<64xi32>
    %broadcast_in_dim3A_64 = vector.shape_cast %reduce_min3A_63 : vector<64xi32> to vector<64x1xi32>
    %eq3A_65 = vector.broadcast %broadcast_in_dim3A_64 : vector<64x1xi32> to vector<64x8192xi32>
    %eq3A_66 = arith.cmpi eq, %iota3A, %eq3A_65 : vector<64x8192xi32>
    %sub3A_67 = arith.subf %broadcast_in_dim3A_56, %broadcast_in_dim3A : vector<64x1xf32>
    %exp3A_68 = math.exp %sub3A_67 : vector<64x1xf32>
    %mul3A_69 = arith.mulf %exp3A_68, %div3A_17 : vector<64x1xf32>
    %broadcast_in_dim3A_70 = vector.shape_cast %mul3A_69 : vector<64x1xf32> to vector<64x1xf32>
    %broadcast_in_dim3A_71 = vector.broadcast %broadcast_in_dim3A_70 : vector<64x1xf32> to vector<64x8192xf32>
    %select_n3A_72 = arith.select %eq3A_66, %broadcast_in_dim3A_71, %select_n3A_38 : vector<64x8192xi1>, vector<64x8192xf32>
    %jit3A_73 = arith.constant 0xFF800000 : f32
    %broadcast_in_dim3A_74 = vector.broadcast %jit3A_73 : f32 to vector<64x8192xf32>
    %select_n3A_75 = arith.select %eq3A_66, %broadcast_in_dim3A_74, %select_n3A_41 : vector<64x8192xi1>, vector<64x8192xf32>
    %eq3A_76 = arith.constant 1 : i32
    %eq3A_77 = vector.broadcast %eq3A_76 : i32 to vector<64x16xi32>
    %eq3A_78 = arith.cmpi eq, %iota3A_18, %eq3A_77 : vector<64x16xi32>
    %broadcast_in_dim3A_79 = vector.shape_cast %broadcast_in_dim3A_64 : vector<64x1xi32> to vector<64x1xi32>
    %broadcast_in_dim3A_80 = vector.broadcast %broadcast_in_dim3A_79 : vector<64x1xi32> to vector<64x16xi32>
    %select_n3A_81 = arith.select %eq3A_78, %broadcast_in_dim3A_80, %select_n3A_47 : vector<64x16xi1>, vector<64x16xi32>
    %eq3A_82 = arith.constant 1 : i32
    %eq3A_83 = vector.broadcast %eq3A_82 : i32 to vector<64x16xi32>
    %eq3A_84 = arith.cmpi eq, %iota3A_18, %eq3A_83 : vector<64x16xi32>
    %broadcast_in_dim3A_85 = vector.shape_cast %mul3A_69 : vector<64x1xf32> to vector<64x1xf32>
    %broadcast_in_dim3A_86 = vector.broadcast %broadcast_in_dim3A_85 : vector<64x1xf32> to vector<64x16xf32>
    %select_n3A_87 = arith.select %eq3A_84, %broadcast_in_dim3A_86, %select_n3A_53 : vector<64x16xi1>, vector<64x16xf32>
    %reduce_max3A_88 = arith.constant dense<0xFF800000> : vector<64xf32>
    %reduce_max3A_89 = vector.multi_reduction <maximumf>, %select_n3A_75, %reduce_max3A_88 [1] : vector<64x8192xf32> to vector<64xf32>
    %broadcast_in_dim3A_90 = vector.shape_cast %reduce_max3A_89 : vector<64xf32> to vector<64x1xf32>
    %eq3A_91 = vector.broadcast %broadcast_in_dim3A_90 : vector<64x1xf32> to vector<64x8192xf32>
    %eq3A_92 = arith.cmpf oeq, %select_n3A_75, %eq3A_91 : vector<64x8192xf32>
    %jit3A_93 = arith.constant 8192 : i32
    %broadcast_in_dim3A_94 = vector.broadcast %jit3A_93 : i32 to vector<64x8192xi32>
    %select_n3A_95 = arith.select %eq3A_92, %iota3A, %broadcast_in_dim3A_94 : vector<64x8192xi1>, vector<64x8192xi32>
    %reduce_min3A_96 = arith.constant dense<2147483647> : vector<64xi32>
    %reduce_min3A_97 = vector.multi_reduction <minsi>, %select_n3A_95, %reduce_min3A_96 [1] : vector<64x8192xi32> to vector<64xi32>
    %broadcast_in_dim3A_98 = vector.shape_cast %reduce_min3A_97 : vector<64xi32> to vector<64x1xi32>
    %eq3A_99 = vector.broadcast %broadcast_in_dim3A_98 : vector<64x1xi32> to vector<64x8192xi32>
    %eq3A_100 = arith.cmpi eq, %iota3A, %eq3A_99 : vector<64x8192xi32>
    %sub3A_101 = arith.subf %broadcast_in_dim3A_90, %broadcast_in_dim3A : vector<64x1xf32>
    %exp3A_102 = math.exp %sub3A_101 : vector<64x1xf32>
    %mul3A_103 = arith.mulf %exp3A_102, %div3A_17 : vector<64x1xf32>
    %broadcast_in_dim3A_104 = vector.shape_cast %mul3A_103 : vector<64x1xf32> to vector<64x1xf32>
    %broadcast_in_dim3A_105 = vector.broadcast %broadcast_in_dim3A_104 : vector<64x1xf32> to vector<64x8192xf32>
    %select_n3A_106 = arith.select %eq3A_100, %broadcast_in_dim3A_105, %select_n3A_72 : vector<64x8192xi1>, vector<64x8192xf32>
    %jit3A_107 = arith.constant 0xFF800000 : f32
    %broadcast_in_dim3A_108 = vector.broadcast %jit3A_107 : f32 to vector<64x8192xf32>
    %select_n3A_109 = arith.select %eq3A_100, %broadcast_in_dim3A_108, %select_n3A_75 : vector<64x8192xi1>, vector<64x8192xf32>
    %eq3A_110 = arith.constant 2 : i32
    %eq3A_111 = vector.broadcast %eq3A_110 : i32 to vector<64x16xi32>
    %eq3A_112 = arith.cmpi eq, %iota3A_18, %eq3A_111 : vector<64x16xi32>
    %broadcast_in_dim3A_113 = vector.shape_cast %broadcast_in_dim3A_98 : vector<64x1xi32> to vector<64x1xi32>
    %broadcast_in_dim3A_114 = vector.broadcast %broadcast_in_dim3A_113 : vector<64x1xi32> to vector<64x16xi32>
    %select_n3A_115 = arith.select %eq3A_112, %broadcast_in_dim3A_114, %select_n3A_81 : vector<64x16xi1>, vector<64x16xi32>
    %eq3A_116 = arith.constant 2 : i32
    %eq3A_117 = vector.broadcast %eq3A_116 : i32 to vector<64x16xi32>
    %eq3A_118 = arith.cmpi eq, %iota3A_18, %eq3A_117 : vector<64x16xi32>
    %broadcast_in_dim3A_119 = vector.shape_cast %mul3A_103 : vector<64x1xf32> to vector<64x1xf32>
    %broadcast_in_dim3A_120 = vector.broadcast %broadcast_in_dim3A_119 : vector<64x1xf32> to vector<64x16xf32>
    %select_n3A_121 = arith.select %eq3A_118, %broadcast_in_dim3A_120, %select_n3A_87 : vector<64x16xi1>, vector<64x16xf32>
    %reduce_max3A_122 = arith.constant dense<0xFF800000> : vector<64xf32>
    %reduce_max3A_123 = vector.multi_reduction <maximumf>, %select_n3A_109, %reduce_max3A_122 [1] : vector<64x8192xf32> to vector<64xf32>
    %broadcast_in_dim3A_124 = vector.shape_cast %reduce_max3A_123 : vector<64xf32> to vector<64x1xf32>
    %eq3A_125 = vector.broadcast %broadcast_in_dim3A_124 : vector<64x1xf32> to vector<64x8192xf32>
    %eq3A_126 = arith.cmpf oeq, %select_n3A_109, %eq3A_125 : vector<64x8192xf32>
    %jit3A_127 = arith.constant 8192 : i32
    %broadcast_in_dim3A_128 = vector.broadcast %jit3A_127 : i32 to vector<64x8192xi32>
    %select_n3A_129 = arith.select %eq3A_126, %iota3A, %broadcast_in_dim3A_128 : vector<64x8192xi1>, vector<64x8192xi32>
    %reduce_min3A_130 = arith.constant dense<2147483647> : vector<64xi32>
    %reduce_min3A_131 = vector.multi_reduction <minsi>, %select_n3A_129, %reduce_min3A_130 [1] : vector<64x8192xi32> to vector<64xi32>
    %broadcast_in_dim3A_132 = vector.shape_cast %reduce_min3A_131 : vector<64xi32> to vector<64x1xi32>
    %eq3A_133 = vector.broadcast %broadcast_in_dim3A_132 : vector<64x1xi32> to vector<64x8192xi32>
    %eq3A_134 = arith.cmpi eq, %iota3A, %eq3A_133 : vector<64x8192xi32>
    %sub3A_135 = arith.subf %broadcast_in_dim3A_124, %broadcast_in_dim3A : vector<64x1xf32>
    %exp3A_136 = math.exp %sub3A_135 : vector<64x1xf32>
    %mul3A_137 = arith.mulf %exp3A_136, %div3A_17 : vector<64x1xf32>
    %broadcast_in_dim3A_138 = vector.shape_cast %mul3A_137 : vector<64x1xf32> to vector<64x1xf32>
    %broadcast_in_dim3A_139 = vector.broadcast %broadcast_in_dim3A_138 : vector<64x1xf32> to vector<64x8192xf32>
    %select_n3A_140 = arith.select %eq3A_134, %broadcast_in_dim3A_139, %select_n3A_106 : vector<64x8192xi1>, vector<64x8192xf32>
    %jit3A_141 = arith.constant 0xFF800000 : f32
    %broadcast_in_dim3A_142 = vector.broadcast %jit3A_141 : f32 to vector<64x8192xf32>
    %select_n3A_143 = arith.select %eq3A_134, %broadcast_in_dim3A_142, %select_n3A_109 : vector<64x8192xi1>, vector<64x8192xf32>
    %eq3A_144 = arith.constant 3 : i32
    %eq3A_145 = vector.broadcast %eq3A_144 : i32 to vector<64x16xi32>
    %eq3A_146 = arith.cmpi eq, %iota3A_18, %eq3A_145 : vector<64x16xi32>
    %broadcast_in_dim3A_147 = vector.shape_cast %broadcast_in_dim3A_132 : vector<64x1xi32> to vector<64x1xi32>
    %broadcast_in_dim3A_148 = vector.broadcast %broadcast_in_dim3A_147 : vector<64x1xi32> to vector<64x16xi32>
    %select_n3A_149 = arith.select %eq3A_146, %broadcast_in_dim3A_148, %select_n3A_115 : vector<64x16xi1>, vector<64x16xi32>
    %eq3A_150 = arith.constant 3 : i32
    %eq3A_151 = vector.broadcast %eq3A_150 : i32 to vector<64x16xi32>
    %eq3A_152 = arith.cmpi eq, %iota3A_18, %eq3A_151 : vector<64x16xi32>
    %broadcast_in_dim3A_153 = vector.shape_cast %mul3A_137 : vector<64x1xf32> to vector<64x1xf32>
    %broadcast_in_dim3A_154 = vector.broadcast %broadcast_in_dim3A_153 : vector<64x1xf32> to vector<64x16xf32>
    %select_n3A_155 = arith.select %eq3A_152, %broadcast_in_dim3A_154, %select_n3A_121 : vector<64x16xi1>, vector<64x16xf32>
    %reduce_max3A_156 = arith.constant dense<0xFF800000> : vector<64xf32>
    %reduce_max3A_157 = vector.multi_reduction <maximumf>, %select_n3A_143, %reduce_max3A_156 [1] : vector<64x8192xf32> to vector<64xf32>
    %broadcast_in_dim3A_158 = vector.shape_cast %reduce_max3A_157 : vector<64xf32> to vector<64x1xf32>
    %eq3A_159 = vector.broadcast %broadcast_in_dim3A_158 : vector<64x1xf32> to vector<64x8192xf32>
    %eq3A_160 = arith.cmpf oeq, %select_n3A_143, %eq3A_159 : vector<64x8192xf32>
    %jit3A_161 = arith.constant 8192 : i32
    %broadcast_in_dim3A_162 = vector.broadcast %jit3A_161 : i32 to vector<64x8192xi32>
    %select_n3A_163 = arith.select %eq3A_160, %iota3A, %broadcast_in_dim3A_162 : vector<64x8192xi1>, vector<64x8192xi32>
    %reduce_min3A_164 = arith.constant dense<2147483647> : vector<64xi32>
    %reduce_min3A_165 = vector.multi_reduction <minsi>, %select_n3A_163, %reduce_min3A_164 [1] : vector<64x8192xi32> to vector<64xi32>
    %broadcast_in_dim3A_166 = vector.shape_cast %reduce_min3A_165 : vector<64xi32> to vector<64x1xi32>
    %eq3A_167 = vector.broadcast %broadcast_in_dim3A_166 : vector<64x1xi32> to vector<64x8192xi32>
    %eq3A_168 = arith.cmpi eq, %iota3A, %eq3A_167 : vector<64x8192xi32>
    %sub3A_169 = arith.subf %broadcast_in_dim3A_158, %broadcast_in_dim3A : vector<64x1xf32>
    %exp3A_170 = math.exp %sub3A_169 : vector<64x1xf32>
    %mul3A_171 = arith.mulf %exp3A_170, %div3A_17 : vector<64x1xf32>
    %broadcast_in_dim3A_172 = vector.shape_cast %mul3A_171 : vector<64x1xf32> to vector<64x1xf32>
    %broadcast_in_dim3A_173 = vector.broadcast %broadcast_in_dim3A_172 : vector<64x1xf32> to vector<64x8192xf32>
    %select_n3A_174 = arith.select %eq3A_168, %broadcast_in_dim3A_173, %select_n3A_140 : vector<64x8192xi1>, vector<64x8192xf32>
    %jit3A_175 = arith.constant 0xFF800000 : f32
    %broadcast_in_dim3A_176 = vector.broadcast %jit3A_175 : f32 to vector<64x8192xf32>
    %select_n3A_177 = arith.select %eq3A_168, %broadcast_in_dim3A_176, %select_n3A_143 : vector<64x8192xi1>, vector<64x8192xf32>
    %eq3A_178 = arith.constant 4 : i32
    %eq3A_179 = vector.broadcast %eq3A_178 : i32 to vector<64x16xi32>
    %eq3A_180 = arith.cmpi eq, %iota3A_18, %eq3A_179 : vector<64x16xi32>
    %broadcast_in_dim3A_181 = vector.shape_cast %broadcast_in_dim3A_166 : vector<64x1xi32> to vector<64x1xi32>
    %broadcast_in_dim3A_182 = vector.broadcast %broadcast_in_dim3A_181 : vector<64x1xi32> to vector<64x16xi32>
    %select_n3A_183 = arith.select %eq3A_180, %broadcast_in_dim3A_182, %select_n3A_149 : vector<64x16xi1>, vector<64x16xi32>
    %eq3A_184 = arith.constant 4 : i32
    %eq3A_185 = vector.broadcast %eq3A_184 : i32 to vector<64x16xi32>
    %eq3A_186 = arith.cmpi eq, %iota3A_18, %eq3A_185 : vector<64x16xi32>
    %broadcast_in_dim3A_187 = vector.shape_cast %mul3A_171 : vector<64x1xf32> to vector<64x1xf32>
    %broadcast_in_dim3A_188 = vector.broadcast %broadcast_in_dim3A_187 : vector<64x1xf32> to vector<64x16xf32>
    %select_n3A_189 = arith.select %eq3A_186, %broadcast_in_dim3A_188, %select_n3A_155 : vector<64x16xi1>, vector<64x16xf32>
    %reduce_max3A_190 = arith.constant dense<0xFF800000> : vector<64xf32>
    %reduce_max3A_191 = vector.multi_reduction <maximumf>, %select_n3A_177, %reduce_max3A_190 [1] : vector<64x8192xf32> to vector<64xf32>
    %broadcast_in_dim3A_192 = vector.shape_cast %reduce_max3A_191 : vector<64xf32> to vector<64x1xf32>
    %eq3A_193 = vector.broadcast %broadcast_in_dim3A_192 : vector<64x1xf32> to vector<64x8192xf32>
    %eq3A_194 = arith.cmpf oeq, %select_n3A_177, %eq3A_193 : vector<64x8192xf32>
    %jit3A_195 = arith.constant 8192 : i32
    %broadcast_in_dim3A_196 = vector.broadcast %jit3A_195 : i32 to vector<64x8192xi32>
    %select_n3A_197 = arith.select %eq3A_194, %iota3A, %broadcast_in_dim3A_196 : vector<64x8192xi1>, vector<64x8192xi32>
    %reduce_min3A_198 = arith.constant dense<2147483647> : vector<64xi32>
    %reduce_min3A_199 = vector.multi_reduction <minsi>, %select_n3A_197, %reduce_min3A_198 [1] : vector<64x8192xi32> to vector<64xi32>
    %broadcast_in_dim3A_200 = vector.shape_cast %reduce_min3A_199 : vector<64xi32> to vector<64x1xi32>
    %eq3A_201 = vector.broadcast %broadcast_in_dim3A_200 : vector<64x1xi32> to vector<64x8192xi32>
    %eq3A_202 = arith.cmpi eq, %iota3A, %eq3A_201 : vector<64x8192xi32>
    %sub3A_203 = arith.subf %broadcast_in_dim3A_192, %broadcast_in_dim3A : vector<64x1xf32>
    %exp3A_204 = math.exp %sub3A_203 : vector<64x1xf32>
    %mul3A_205 = arith.mulf %exp3A_204, %div3A_17 : vector<64x1xf32>
    %broadcast_in_dim3A_206 = vector.shape_cast %mul3A_205 : vector<64x1xf32> to vector<64x1xf32>
    %broadcast_in_dim3A_207 = vector.broadcast %broadcast_in_dim3A_206 : vector<64x1xf32> to vector<64x8192xf32>
    %select_n3A_208 = arith.select %eq3A_202, %broadcast_in_dim3A_207, %select_n3A_174 : vector<64x8192xi1>, vector<64x8192xf32>
    %jit3A_209 = arith.constant 0xFF800000 : f32
    %broadcast_in_dim3A_210 = vector.broadcast %jit3A_209 : f32 to vector<64x8192xf32>
    %select_n3A_211 = arith.select %eq3A_202, %broadcast_in_dim3A_210, %select_n3A_177 : vector<64x8192xi1>, vector<64x8192xf32>
    %eq3A_212 = arith.constant 5 : i32
    %eq3A_213 = vector.broadcast %eq3A_212 : i32 to vector<64x16xi32>
    %eq3A_214 = arith.cmpi eq, %iota3A_18, %eq3A_213 : vector<64x16xi32>
    %broadcast_in_dim3A_215 = vector.shape_cast %broadcast_in_dim3A_200 : vector<64x1xi32> to vector<64x1xi32>
    %broadcast_in_dim3A_216 = vector.broadcast %broadcast_in_dim3A_215 : vector<64x1xi32> to vector<64x16xi32>
    %select_n3A_217 = arith.select %eq3A_214, %broadcast_in_dim3A_216, %select_n3A_183 : vector<64x16xi1>, vector<64x16xi32>
    %eq3A_218 = arith.constant 5 : i32
    %eq3A_219 = vector.broadcast %eq3A_218 : i32 to vector<64x16xi32>
    %eq3A_220 = arith.cmpi eq, %iota3A_18, %eq3A_219 : vector<64x16xi32>
    %broadcast_in_dim3A_221 = vector.shape_cast %mul3A_205 : vector<64x1xf32> to vector<64x1xf32>
    %broadcast_in_dim3A_222 = vector.broadcast %broadcast_in_dim3A_221 : vector<64x1xf32> to vector<64x16xf32>
    %select_n3A_223 = arith.select %eq3A_220, %broadcast_in_dim3A_222, %select_n3A_189 : vector<64x16xi1>, vector<64x16xf32>
    %reduce_max3A_224 = arith.constant dense<0xFF800000> : vector<64xf32>
    %reduce_max3A_225 = vector.multi_reduction <maximumf>, %select_n3A_211, %reduce_max3A_224 [1] : vector<64x8192xf32> to vector<64xf32>
    %broadcast_in_dim3A_226 = vector.shape_cast %reduce_max3A_225 : vector<64xf32> to vector<64x1xf32>
    %eq3A_227 = vector.broadcast %broadcast_in_dim3A_226 : vector<64x1xf32> to vector<64x8192xf32>
    %eq3A_228 = arith.cmpf oeq, %select_n3A_211, %eq3A_227 : vector<64x8192xf32>
    %jit3A_229 = arith.constant 8192 : i32
    %broadcast_in_dim3A_230 = vector.broadcast %jit3A_229 : i32 to vector<64x8192xi32>
    %select_n3A_231 = arith.select %eq3A_228, %iota3A, %broadcast_in_dim3A_230 : vector<64x8192xi1>, vector<64x8192xi32>
    %reduce_min3A_232 = arith.constant dense<2147483647> : vector<64xi32>
    %reduce_min3A_233 = vector.multi_reduction <minsi>, %select_n3A_231, %reduce_min3A_232 [1] : vector<64x8192xi32> to vector<64xi32>
    %broadcast_in_dim3A_234 = vector.shape_cast %reduce_min3A_233 : vector<64xi32> to vector<64x1xi32>
    %eq3A_235 = vector.broadcast %broadcast_in_dim3A_234 : vector<64x1xi32> to vector<64x8192xi32>
    %eq3A_236 = arith.cmpi eq, %iota3A, %eq3A_235 : vector<64x8192xi32>
    %sub3A_237 = arith.subf %broadcast_in_dim3A_226, %broadcast_in_dim3A : vector<64x1xf32>
    %exp3A_238 = math.exp %sub3A_237 : vector<64x1xf32>
    %mul3A_239 = arith.mulf %exp3A_238, %div3A_17 : vector<64x1xf32>
    %broadcast_in_dim3A_240 = vector.shape_cast %mul3A_239 : vector<64x1xf32> to vector<64x1xf32>
    %broadcast_in_dim3A_241 = vector.broadcast %broadcast_in_dim3A_240 : vector<64x1xf32> to vector<64x8192xf32>
    %select_n3A_242 = arith.select %eq3A_236, %broadcast_in_dim3A_241, %select_n3A_208 : vector<64x8192xi1>, vector<64x8192xf32>
    %jit3A_243 = arith.constant 0xFF800000 : f32
    %broadcast_in_dim3A_244 = vector.broadcast %jit3A_243 : f32 to vector<64x8192xf32>
    %select_n3A_245 = arith.select %eq3A_236, %broadcast_in_dim3A_244, %select_n3A_211 : vector<64x8192xi1>, vector<64x8192xf32>
    %eq3A_246 = arith.constant 6 : i32
    %eq3A_247 = vector.broadcast %eq3A_246 : i32 to vector<64x16xi32>
    %eq3A_248 = arith.cmpi eq, %iota3A_18, %eq3A_247 : vector<64x16xi32>
    %broadcast_in_dim3A_249 = vector.shape_cast %broadcast_in_dim3A_234 : vector<64x1xi32> to vector<64x1xi32>
    %broadcast_in_dim3A_250 = vector.broadcast %broadcast_in_dim3A_249 : vector<64x1xi32> to vector<64x16xi32>
    %select_n3A_251 = arith.select %eq3A_248, %broadcast_in_dim3A_250, %select_n3A_217 : vector<64x16xi1>, vector<64x16xi32>
    %eq3A_252 = arith.constant 6 : i32
    %eq3A_253 = vector.broadcast %eq3A_252 : i32 to vector<64x16xi32>
    %eq3A_254 = arith.cmpi eq, %iota3A_18, %eq3A_253 : vector<64x16xi32>
    %broadcast_in_dim3A_255 = vector.shape_cast %mul3A_239 : vector<64x1xf32> to vector<64x1xf32>
    %broadcast_in_dim3A_256 = vector.broadcast %broadcast_in_dim3A_255 : vector<64x1xf32> to vector<64x16xf32>
    %select_n3A_257 = arith.select %eq3A_254, %broadcast_in_dim3A_256, %select_n3A_223 : vector<64x16xi1>, vector<64x16xf32>
    %reduce_max3A_258 = arith.constant dense<0xFF800000> : vector<64xf32>
    %reduce_max3A_259 = vector.multi_reduction <maximumf>, %select_n3A_245, %reduce_max3A_258 [1] : vector<64x8192xf32> to vector<64xf32>
    %broadcast_in_dim3A_260 = vector.shape_cast %reduce_max3A_259 : vector<64xf32> to vector<64x1xf32>
    %eq3A_261 = vector.broadcast %broadcast_in_dim3A_260 : vector<64x1xf32> to vector<64x8192xf32>
    %eq3A_262 = arith.cmpf oeq, %select_n3A_245, %eq3A_261 : vector<64x8192xf32>
    %jit3A_263 = arith.constant 8192 : i32
    %broadcast_in_dim3A_264 = vector.broadcast %jit3A_263 : i32 to vector<64x8192xi32>
    %select_n3A_265 = arith.select %eq3A_262, %iota3A, %broadcast_in_dim3A_264 : vector<64x8192xi1>, vector<64x8192xi32>
    %reduce_min3A_266 = arith.constant dense<2147483647> : vector<64xi32>
    %reduce_min3A_267 = vector.multi_reduction <minsi>, %select_n3A_265, %reduce_min3A_266 [1] : vector<64x8192xi32> to vector<64xi32>
    %broadcast_in_dim3A_268 = vector.shape_cast %reduce_min3A_267 : vector<64xi32> to vector<64x1xi32>
    %eq3A_269 = vector.broadcast %broadcast_in_dim3A_268 : vector<64x1xi32> to vector<64x8192xi32>
    %eq3A_270 = arith.cmpi eq, %iota3A, %eq3A_269 : vector<64x8192xi32>
    %sub3A_271 = arith.subf %broadcast_in_dim3A_260, %broadcast_in_dim3A : vector<64x1xf32>
    %exp3A_272 = math.exp %sub3A_271 : vector<64x1xf32>
    %mul3A_273 = arith.mulf %exp3A_272, %div3A_17 : vector<64x1xf32>
    %broadcast_in_dim3A_274 = vector.shape_cast %mul3A_273 : vector<64x1xf32> to vector<64x1xf32>
    %broadcast_in_dim3A_275 = vector.broadcast %broadcast_in_dim3A_274 : vector<64x1xf32> to vector<64x8192xf32>
    %select_n3A_276 = arith.select %eq3A_270, %broadcast_in_dim3A_275, %select_n3A_242 : vector<64x8192xi1>, vector<64x8192xf32>
    %eq3A_277 = arith.constant 7 : i32
    %eq3A_278 = vector.broadcast %eq3A_277 : i32 to vector<64x16xi32>
    %eq3A_279 = arith.cmpi eq, %iota3A_18, %eq3A_278 : vector<64x16xi32>
    %broadcast_in_dim3A_280 = vector.shape_cast %broadcast_in_dim3A_268 : vector<64x1xi32> to vector<64x1xi32>
    %broadcast_in_dim3A_281 = vector.broadcast %broadcast_in_dim3A_280 : vector<64x1xi32> to vector<64x16xi32>
    %select_n3A_282 = arith.select %eq3A_279, %broadcast_in_dim3A_281, %select_n3A_251 : vector<64x16xi1>, vector<64x16xi32>
    %eq3A_283 = arith.constant 7 : i32
    %eq3A_284 = vector.broadcast %eq3A_283 : i32 to vector<64x16xi32>
    %eq3A_285 = arith.cmpi eq, %iota3A_18, %eq3A_284 : vector<64x16xi32>
    %broadcast_in_dim3A_286 = vector.shape_cast %mul3A_273 : vector<64x1xf32> to vector<64x1xf32>
    %broadcast_in_dim3A_287 = vector.broadcast %broadcast_in_dim3A_286 : vector<64x1xf32> to vector<64x16xf32>
    %select_n3A_288 = arith.select %eq3A_285, %broadcast_in_dim3A_287, %select_n3A_257 : vector<64x16xi1>, vector<64x16xf32>
    %swap3A = arith.constant 0 : index
    %swap3A_289 = arith.constant 0 : index
    %swap3A_290 = arith.constant 0 : index
    %swap3A_291 = vector.load %arg4[%swap3A, %swap3A_289, %swap3A_290] : memref<1x64x16xi32, #tpu.memory_space<vmem>>, vector<1x64x16xi32>
    %swap3A_292 = vector.shape_cast %swap3A_291 : vector<1x64x16xi32> to vector<64x16xi32>
    %swap3A_293 = vector.shape_cast %select_n3A_282 : vector<64x16xi32> to vector<1x64x16xi32>
    tpu.vector_store %arg4[%swap3A, %swap3A_289, %swap3A_290], %swap3A_293 {strides = array<i32>} : memref<1x64x16xi32, #tpu.memory_space<vmem>>, vector<1x64x16xi32>,
    %swap3A_294 = arith.constant 0 : index
    %swap3A_295 = arith.constant 0 : index
    %swap3A_296 = arith.constant 0 : index
    %swap3A_297 = vector.load %arg5[%swap3A_294, %swap3A_295, %swap3A_296] : memref<1x64x16xf32, #tpu.memory_space<vmem>>, vector<1x64x16xf32>
    %swap3A_298 = vector.shape_cast %swap3A_297 : vector<1x64x16xf32> to vector<64x16xf32>
    %swap3A_299 = vector.shape_cast %select_n3A_288 : vector<64x16xf32> to vector<1x64x16xf32>
    tpu.vector_store %arg5[%swap3A_294, %swap3A_295, %swap3A_296], %swap3A_299 {strides = array<i32>} : memref<1x64x16xf32, #tpu.memory_space<vmem>>, vector<1x64x16xf32>,
    %dot_general3A_300 = arith.constant dense<0.000000e+00> : vector<64x128xf32>
    %dot_general3A_301 = tpu.matmul %select_n3A_276, %get3A_3, %dot_general3A_300 {dimension_numbers = #tpu.dot_dimension_numbers<[1], [0], [0], [1], [0, 0, 1, 1], [], []>, transpose_lhs_hint = false} : vector<64x8192xf32>, vector<8192x128xf32>, vector<64x128xf32> -> vector<64x128xf32>
    %swap3A_302 = arith.constant 0 : index
    %swap3A_303 = arith.constant 0 : index
    %swap3A_304 = arith.constant 0 : index
    %swap3A_305 = vector.load %arg6[%swap3A_302, %swap3A_303, %swap3A_304] : memref<1x64x128xf32, #tpu.memory_space<vmem>>, vector<1x64x128xf32>
    %swap3A_306 = vector.shape_cast %swap3A_305 : vector<1x64x128xf32> to vector<64x128xf32>
    %swap3A_307 = vector.shape_cast %dot_general3A_301 : vector<64x128xf32> to vector<1x64x128xf32>
    tpu.vector_store %arg6[%swap3A_302, %swap3A_303, %swap3A_304], %swap3A_307 {strides = array<i32>} : memref<1x64x128xf32, #tpu.memory_space<vmem>>, vector<1x64x128xf32>,
    return
  }
  func.func @transform_0(%arg0: i32) -> (i32, i32, i32) {
    %c0_i32 = arith.constant 0 : i32
    %c0_i32_0 = arith.constant 0 : i32
    %c0_i32_1 = arith.constant 0 : i32
    return %arg0, %c0_i32, %c0_i32_0 : i32, i32, i32
  }
  func.func @transform_1(%arg0: i32) -> (i32, i32) {
    %c0_i32 = arith.constant 0 : i32
    %c0_i32_0 = arith.constant 0 : i32
    %c0_i32_1 = arith.constant 0 : i32
    return %c0_i32, %c0_i32_0 : i32, i32
  }
  func.func @transform_2(%arg0: i32) -> (i32, i32) {
    %c0_i32 = arith.constant 0 : i32
    %c0_i32_0 = arith.constant 0 : i32
    %c0_i32_1 = arith.constant 0 : i32
    return %c0_i32, %c0_i32_0 : i32, i32
  }
  func.func @transform_3(%arg0: i32) -> (i32, i32, i32) {
    %c0_i32 = arith.constant 0 : i32
    %c0_i32_0 = arith.constant 0 : i32
    %c0_i32_1 = arith.constant 0 : i32
    return %arg0, %c0_i32, %c0_i32_0 : i32, i32, i32
  }
  func.func @transform_4(%arg0: i32) -> (i32, i32, i32) {
    %c0_i32 = arith.constant 0 : i32
    %c0_i32_0 = arith.constant 0 : i32
    %c0_i32_1 = arith.constant 0 : i32
    return %arg0, %c0_i32, %c0_i32_0 : i32, i32, i32
  }
  func.func @transform_5(%arg0: i32) -> (i32, i32, i32) {
    %c0_i32 = arith.constant 0 : i32
    %c0_i32_0 = arith.constant 0 : i32
    %c0_i32_1 = arith.constant 0 : i32
    return %arg0, %c0_i32, %c0_i32_0 : i32, i32, i32
  }
}

module attributes {stable_mosaic.version = 14 : i64} {
  func.func @_ffn_body(%arg0: i32, %arg1: memref<4x16x128xf32, #tpu.memory_space<vmem>>, %arg2: memref<4x16x16xf32, #tpu.memory_space<vmem>>, %arg3: memref<16x129x512xf32, #tpu.memory_space<vmem>>, %arg4: memref<16x513x128xf32, #tpu.memory_space<vmem>>, %arg5: memref<4x16x16x128xf32, #tpu.memory_space<vmem>>) attributes {dimension_semantics = [#tpu.dimension_semantics<arbitrary>], iteration_bounds = array<i64: 4>, scalar_prefetch = 0 : i64, scratch_operands = 0 : i64, tpu.core_type = #tpu.core_type<tc>, window_params = [{transform_indices = @transform_0, window_bounds = array<i64: 4, 16, 128>}, {transform_indices = @transform_1, window_bounds = array<i64: 4, 16, 16>}, {transform_indices = @transform_2, window_bounds = array<i64: 16, 129, 512>}, {transform_indices = @transform_3, window_bounds = array<i64: 16, 513, 128>}, {transform_indices = @transform_4, window_bounds = array<i64: 4, 16, 16, 128>}]} {
    %get3A = arith.constant 0 : index
    %get3A_0 = arith.constant 0 : index
    %get3A_1 = arith.constant 0 : index
    %get3A_2 = vector.load %arg1[%get3A, %get3A_0, %get3A_1] : memref<4x16x128xf32, #tpu.memory_space<vmem>>, vector<4x1x128xf32>
    %get3A_3 = vector.shape_cast %get3A_2 : vector<4x1x128xf32> to vector<4x128xf32>
    %get3A_4 = arith.constant 0 : index
    %get3A_5 = arith.constant 0 : index
    %get3A_6 = arith.constant 0 : index
    %get3A_7 = vector.load %arg3[%get3A_4, %get3A_5, %get3A_6] : memref<16x129x512xf32, #tpu.memory_space<vmem>>, vector<1x129x512xf32>
    %get3A_8 = vector.shape_cast %get3A_7 : vector<1x129x512xf32> to vector<129x512xf32>
    %slice3A = vector.extract_strided_slice %get3A_8 {offsets = [0, 0], sizes = [128, 512], strides = [1, 1]} : vector<129x512xf32> to vector<128x512xf32>
    %dot_general3A = arith.constant dense<0.000000e+00> : vector<4x512xf32>
    %dot_general3A_9 = tpu.matmul %get3A_3, %slice3A, %dot_general3A {dimension_numbers = #tpu.dot_dimension_numbers<[1], [0], [0], [1], [0, 0, 1, 1], [], []>, transpose_lhs_hint = false} : vector<4x128xf32>, vector<128x512xf32>, vector<4x512xf32> -> vector<4x512xf32>
    %slice3A_10 = vector.extract_strided_slice %get3A_8 {offsets = [128, 0], sizes = [1, 512], strides = [1, 1]} : vector<129x512xf32> to vector<1x512xf32>
    %add3A = vector.broadcast %slice3A_10 : vector<1x512xf32> to vector<4x512xf32>
    %add3A_11 = arith.addf %dot_general3A_9, %add3A : vector<4x512xf32>
    %mul3A = arith.constant 5.000000e-01 : f32
    %mul3A_12 = vector.broadcast %mul3A : f32 to vector<4x512xf32>
    %mul3A_13 = arith.mulf %mul3A_12, %add3A_11 : vector<4x512xf32>
    %mul3A_14 = arith.constant 0.707106769 : f32
    %mul3A_15 = vector.broadcast %mul3A_14 : f32 to vector<4x512xf32>
    %mul3A_16 = arith.mulf %add3A_11, %mul3A_15 : vector<4x512xf32>
    %erf3A = math.erf %mul3A_16 : vector<4x512xf32>
    %add3A_17 = arith.constant 1.000000e+00 : f32
    %add3A_18 = vector.broadcast %add3A_17 : f32 to vector<4x512xf32>
    %add3A_19 = arith.addf %add3A_18, %erf3A : vector<4x512xf32>
    %mul3A_20 = arith.mulf %mul3A_13, %add3A_19 : vector<4x512xf32>
    %get3A_21 = arith.constant 0 : index
    %get3A_22 = arith.constant 0 : index
    %get3A_23 = arith.constant 0 : index
    %get3A_24 = vector.load %arg4[%get3A_21, %get3A_22, %get3A_23] : memref<16x513x128xf32, #tpu.memory_space<vmem>>, vector<1x513x128xf32>
    %get3A_25 = vector.shape_cast %get3A_24 : vector<1x513x128xf32> to vector<513x128xf32>
    %slice3A_26 = vector.extract_strided_slice %get3A_25 {offsets = [0, 0], sizes = [512, 128], strides = [1, 1]} : vector<513x128xf32> to vector<512x128xf32>
    %dot_general3A_27 = arith.constant dense<0.000000e+00> : vector<4x128xf32>
    %dot_general3A_28 = tpu.matmul %mul3A_20, %slice3A_26, %dot_general3A_27 {dimension_numbers = #tpu.dot_dimension_numbers<[1], [0], [0], [1], [0, 0, 1, 1], [], []>, transpose_lhs_hint = false} : vector<4x512xf32>, vector<512x128xf32>, vector<4x128xf32> -> vector<4x128xf32>
    %slice3A_29 = vector.extract_strided_slice %get3A_25 {offsets = [512, 0], sizes = [1, 128], strides = [1, 1]} : vector<513x128xf32> to vector<1x128xf32>
    %add3A_30 = vector.broadcast %slice3A_29 : vector<1x128xf32> to vector<4x128xf32>
    %add3A_31 = arith.addf %dot_general3A_28, %add3A_30 : vector<4x128xf32>
    %get3A_32 = arith.constant 0 : index
    %get3A_33 = arith.constant 0 : index
    %get3A_34 = arith.constant 0 : index
    %get3A_35 = vector.load %arg2[%get3A_32, %get3A_33, %get3A_34] : memref<4x16x16xf32, #tpu.memory_space<vmem>>, vector<4x1x16xf32>
    %get3A_36 = vector.shape_cast %get3A_35 : vector<4x1x16xf32> to vector<4x16xf32>
    %broadcast_in_dim3A = vector.shape_cast %get3A_36 : vector<4x16xf32> to vector<4x16x1xf32>
    %broadcast_in_dim3A_37 = vector.shape_cast %add3A_31 : vector<4x128xf32> to vector<4x1x128xf32>
    %mul3A_38 = vector.broadcast %broadcast_in_dim3A : vector<4x16x1xf32> to vector<4x16x128xf32>
    %mul3A_39 = vector.broadcast %broadcast_in_dim3A_37 : vector<4x1x128xf32> to vector<4x16x128xf32>
    %mul3A_40 = arith.mulf %mul3A_38, %mul3A_39 : vector<4x16x128xf32>
    %swap3A = arith.constant 0 : index
    %swap3A_41 = arith.constant 0 : index
    %swap3A_42 = arith.constant 0 : index
    %swap3A_43 = arith.constant 0 : index
    %swap3A_44 = vector.load %arg5[%swap3A, %swap3A_41, %swap3A_42, %swap3A_43] : memref<4x16x16x128xf32, #tpu.memory_space<vmem>>, vector<4x1x16x128xf32>
    %swap3A_45 = vector.shape_cast %swap3A_44 : vector<4x1x16x128xf32> to vector<4x16x128xf32>
    %swap3A_46 = vector.shape_cast %mul3A_40 : vector<4x16x128xf32> to vector<4x1x16x128xf32>
    tpu.vector_store %arg5[%swap3A, %swap3A_41, %swap3A_42, %swap3A_43], %swap3A_46 {strides = array<i32>} : memref<4x16x16x128xf32, #tpu.memory_space<vmem>>, vector<4x1x16x128xf32>,
    %get3A_47 = arith.constant 0 : index
    %get3A_48 = arith.constant 1 : index
    %get3A_49 = arith.constant 0 : index
    %get3A_50 = vector.load %arg1[%get3A_47, %get3A_48, %get3A_49] : memref<4x16x128xf32, #tpu.memory_space<vmem>>, vector<4x1x128xf32>
    %get3A_51 = vector.shape_cast %get3A_50 : vector<4x1x128xf32> to vector<4x128xf32>
    %get3A_52 = arith.constant 1 : index
    %get3A_53 = arith.constant 0 : index
    %get3A_54 = arith.constant 0 : index
    %get3A_55 = vector.load %arg3[%get3A_52, %get3A_53, %get3A_54] : memref<16x129x512xf32, #tpu.memory_space<vmem>>, vector<1x129x512xf32>
    %get3A_56 = vector.shape_cast %get3A_55 : vector<1x129x512xf32> to vector<129x512xf32>
    %slice3A_57 = vector.extract_strided_slice %get3A_56 {offsets = [0, 0], sizes = [128, 512], strides = [1, 1]} : vector<129x512xf32> to vector<128x512xf32>
    %dot_general3A_58 = arith.constant dense<0.000000e+00> : vector<4x512xf32>
    %dot_general3A_59 = tpu.matmul %get3A_51, %slice3A_57, %dot_general3A_58 {dimension_numbers = #tpu.dot_dimension_numbers<[1], [0], [0], [1], [0, 0, 1, 1], [], []>, transpose_lhs_hint = false} : vector<4x128xf32>, vector<128x512xf32>, vector<4x512xf32> -> vector<4x512xf32>
    %slice3A_60 = vector.extract_strided_slice %get3A_56 {offsets = [128, 0], sizes = [1, 512], strides = [1, 1]} : vector<129x512xf32> to vector<1x512xf32>
    %add3A_61 = vector.broadcast %slice3A_60 : vector<1x512xf32> to vector<4x512xf32>
    %add3A_62 = arith.addf %dot_general3A_59, %add3A_61 : vector<4x512xf32>
    %mul3A_63 = arith.constant 5.000000e-01 : f32
    %mul3A_64 = vector.broadcast %mul3A_63 : f32 to vector<4x512xf32>
    %mul3A_65 = arith.mulf %mul3A_64, %add3A_62 : vector<4x512xf32>
    %mul3A_66 = arith.constant 0.707106769 : f32
    %mul3A_67 = vector.broadcast %mul3A_66 : f32 to vector<4x512xf32>
    %mul3A_68 = arith.mulf %add3A_62, %mul3A_67 : vector<4x512xf32>
    %erf3A_69 = math.erf %mul3A_68 : vector<4x512xf32>
    %add3A_70 = arith.constant 1.000000e+00 : f32
    %add3A_71 = vector.broadcast %add3A_70 : f32 to vector<4x512xf32>
    %add3A_72 = arith.addf %add3A_71, %erf3A_69 : vector<4x512xf32>
    %mul3A_73 = arith.mulf %mul3A_65, %add3A_72 : vector<4x512xf32>
    %get3A_74 = arith.constant 1 : index
    %get3A_75 = arith.constant 0 : index
    %get3A_76 = arith.constant 0 : index
    %get3A_77 = vector.load %arg4[%get3A_74, %get3A_75, %get3A_76] : memref<16x513x128xf32, #tpu.memory_space<vmem>>, vector<1x513x128xf32>
    %get3A_78 = vector.shape_cast %get3A_77 : vector<1x513x128xf32> to vector<513x128xf32>
    %slice3A_79 = vector.extract_strided_slice %get3A_78 {offsets = [0, 0], sizes = [512, 128], strides = [1, 1]} : vector<513x128xf32> to vector<512x128xf32>
    %dot_general3A_80 = arith.constant dense<0.000000e+00> : vector<4x128xf32>
    %dot_general3A_81 = tpu.matmul %mul3A_73, %slice3A_79, %dot_general3A_80 {dimension_numbers = #tpu.dot_dimension_numbers<[1], [0], [0], [1], [0, 0, 1, 1], [], []>, transpose_lhs_hint = false} : vector<4x512xf32>, vector<512x128xf32>, vector<4x128xf32> -> vector<4x128xf32>
    %slice3A_82 = vector.extract_strided_slice %get3A_78 {offsets = [512, 0], sizes = [1, 128], strides = [1, 1]} : vector<513x128xf32> to vector<1x128xf32>
    %add3A_83 = vector.broadcast %slice3A_82 : vector<1x128xf32> to vector<4x128xf32>
    %add3A_84 = arith.addf %dot_general3A_81, %add3A_83 : vector<4x128xf32>
    %get3A_85 = arith.constant 0 : index
    %get3A_86 = arith.constant 1 : index
    %get3A_87 = arith.constant 0 : index
    %get3A_88 = vector.load %arg2[%get3A_85, %get3A_86, %get3A_87] : memref<4x16x16xf32, #tpu.memory_space<vmem>>, vector<4x1x16xf32>
    %get3A_89 = vector.shape_cast %get3A_88 : vector<4x1x16xf32> to vector<4x16xf32>
    %broadcast_in_dim3A_90 = vector.shape_cast %get3A_89 : vector<4x16xf32> to vector<4x16x1xf32>
    %broadcast_in_dim3A_91 = vector.shape_cast %add3A_84 : vector<4x128xf32> to vector<4x1x128xf32>
    %mul3A_92 = vector.broadcast %broadcast_in_dim3A_90 : vector<4x16x1xf32> to vector<4x16x128xf32>
    %mul3A_93 = vector.broadcast %broadcast_in_dim3A_91 : vector<4x1x128xf32> to vector<4x16x128xf32>
    %mul3A_94 = arith.mulf %mul3A_92, %mul3A_93 : vector<4x16x128xf32>
    %swap3A_95 = arith.constant 0 : index
    %swap3A_96 = arith.constant 1 : index
    %swap3A_97 = arith.constant 0 : index
    %swap3A_98 = arith.constant 0 : index
    %swap3A_99 = vector.load %arg5[%swap3A_95, %swap3A_96, %swap3A_97, %swap3A_98] : memref<4x16x16x128xf32, #tpu.memory_space<vmem>>, vector<4x1x16x128xf32>
    %swap3A_100 = vector.shape_cast %swap3A_99 : vector<4x1x16x128xf32> to vector<4x16x128xf32>
    %swap3A_101 = vector.shape_cast %mul3A_94 : vector<4x16x128xf32> to vector<4x1x16x128xf32>
    tpu.vector_store %arg5[%swap3A_95, %swap3A_96, %swap3A_97, %swap3A_98], %swap3A_101 {strides = array<i32>} : memref<4x16x16x128xf32, #tpu.memory_space<vmem>>, vector<4x1x16x128xf32>,
    %get3A_102 = arith.constant 0 : index
    %get3A_103 = arith.constant 2 : index
    %get3A_104 = arith.constant 0 : index
    %get3A_105 = vector.load %arg1[%get3A_102, %get3A_103, %get3A_104] : memref<4x16x128xf32, #tpu.memory_space<vmem>>, vector<4x1x128xf32>
    %get3A_106 = vector.shape_cast %get3A_105 : vector<4x1x128xf32> to vector<4x128xf32>
    %get3A_107 = arith.constant 2 : index
    %get3A_108 = arith.constant 0 : index
    %get3A_109 = arith.constant 0 : index
    %get3A_110 = vector.load %arg3[%get3A_107, %get3A_108, %get3A_109] : memref<16x129x512xf32, #tpu.memory_space<vmem>>, vector<1x129x512xf32>
    %get3A_111 = vector.shape_cast %get3A_110 : vector<1x129x512xf32> to vector<129x512xf32>
    %slice3A_112 = vector.extract_strided_slice %get3A_111 {offsets = [0, 0], sizes = [128, 512], strides = [1, 1]} : vector<129x512xf32> to vector<128x512xf32>
    %dot_general3A_113 = arith.constant dense<0.000000e+00> : vector<4x512xf32>
    %dot_general3A_114 = tpu.matmul %get3A_106, %slice3A_112, %dot_general3A_113 {dimension_numbers = #tpu.dot_dimension_numbers<[1], [0], [0], [1], [0, 0, 1, 1], [], []>, transpose_lhs_hint = false} : vector<4x128xf32>, vector<128x512xf32>, vector<4x512xf32> -> vector<4x512xf32>
    %slice3A_115 = vector.extract_strided_slice %get3A_111 {offsets = [128, 0], sizes = [1, 512], strides = [1, 1]} : vector<129x512xf32> to vector<1x512xf32>
    %add3A_116 = vector.broadcast %slice3A_115 : vector<1x512xf32> to vector<4x512xf32>
    %add3A_117 = arith.addf %dot_general3A_114, %add3A_116 : vector<4x512xf32>
    %mul3A_118 = arith.constant 5.000000e-01 : f32
    %mul3A_119 = vector.broadcast %mul3A_118 : f32 to vector<4x512xf32>
    %mul3A_120 = arith.mulf %mul3A_119, %add3A_117 : vector<4x512xf32>
    %mul3A_121 = arith.constant 0.707106769 : f32
    %mul3A_122 = vector.broadcast %mul3A_121 : f32 to vector<4x512xf32>
    %mul3A_123 = arith.mulf %add3A_117, %mul3A_122 : vector<4x512xf32>
    %erf3A_124 = math.erf %mul3A_123 : vector<4x512xf32>
    %add3A_125 = arith.constant 1.000000e+00 : f32
    %add3A_126 = vector.broadcast %add3A_125 : f32 to vector<4x512xf32>
    %add3A_127 = arith.addf %add3A_126, %erf3A_124 : vector<4x512xf32>
    %mul3A_128 = arith.mulf %mul3A_120, %add3A_127 : vector<4x512xf32>
    %get3A_129 = arith.constant 2 : index
    %get3A_130 = arith.constant 0 : index
    %get3A_131 = arith.constant 0 : index
    %get3A_132 = vector.load %arg4[%get3A_129, %get3A_130, %get3A_131] : memref<16x513x128xf32, #tpu.memory_space<vmem>>, vector<1x513x128xf32>
    %get3A_133 = vector.shape_cast %get3A_132 : vector<1x513x128xf32> to vector<513x128xf32>
    %slice3A_134 = vector.extract_strided_slice %get3A_133 {offsets = [0, 0], sizes = [512, 128], strides = [1, 1]} : vector<513x128xf32> to vector<512x128xf32>
    %dot_general3A_135 = arith.constant dense<0.000000e+00> : vector<4x128xf32>
    %dot_general3A_136 = tpu.matmul %mul3A_128, %slice3A_134, %dot_general3A_135 {dimension_numbers = #tpu.dot_dimension_numbers<[1], [0], [0], [1], [0, 0, 1, 1], [], []>, transpose_lhs_hint = false} : vector<4x512xf32>, vector<512x128xf32>, vector<4x128xf32> -> vector<4x128xf32>
    %slice3A_137 = vector.extract_strided_slice %get3A_133 {offsets = [512, 0], sizes = [1, 128], strides = [1, 1]} : vector<513x128xf32> to vector<1x128xf32>
    %add3A_138 = vector.broadcast %slice3A_137 : vector<1x128xf32> to vector<4x128xf32>
    %add3A_139 = arith.addf %dot_general3A_136, %add3A_138 : vector<4x128xf32>
    %get3A_140 = arith.constant 0 : index
    %get3A_141 = arith.constant 2 : index
    %get3A_142 = arith.constant 0 : index
    %get3A_143 = vector.load %arg2[%get3A_140, %get3A_141, %get3A_142] : memref<4x16x16xf32, #tpu.memory_space<vmem>>, vector<4x1x16xf32>
    %get3A_144 = vector.shape_cast %get3A_143 : vector<4x1x16xf32> to vector<4x16xf32>
    %broadcast_in_dim3A_145 = vector.shape_cast %get3A_144 : vector<4x16xf32> to vector<4x16x1xf32>
    %broadcast_in_dim3A_146 = vector.shape_cast %add3A_139 : vector<4x128xf32> to vector<4x1x128xf32>
    %mul3A_147 = vector.broadcast %broadcast_in_dim3A_145 : vector<4x16x1xf32> to vector<4x16x128xf32>
    %mul3A_148 = vector.broadcast %broadcast_in_dim3A_146 : vector<4x1x128xf32> to vector<4x16x128xf32>
    %mul3A_149 = arith.mulf %mul3A_147, %mul3A_148 : vector<4x16x128xf32>
    %swap3A_150 = arith.constant 0 : index
    %swap3A_151 = arith.constant 2 : index
    %swap3A_152 = arith.constant 0 : index
    %swap3A_153 = arith.constant 0 : index
    %swap3A_154 = vector.load %arg5[%swap3A_150, %swap3A_151, %swap3A_152, %swap3A_153] : memref<4x16x16x128xf32, #tpu.memory_space<vmem>>, vector<4x1x16x128xf32>
    %swap3A_155 = vector.shape_cast %swap3A_154 : vector<4x1x16x128xf32> to vector<4x16x128xf32>
    %swap3A_156 = vector.shape_cast %mul3A_149 : vector<4x16x128xf32> to vector<4x1x16x128xf32>
    tpu.vector_store %arg5[%swap3A_150, %swap3A_151, %swap3A_152, %swap3A_153], %swap3A_156 {strides = array<i32>} : memref<4x16x16x128xf32, #tpu.memory_space<vmem>>, vector<4x1x16x128xf32>,
    %get3A_157 = arith.constant 0 : index
    %get3A_158 = arith.constant 3 : index
    %get3A_159 = arith.constant 0 : index
    %get3A_160 = vector.load %arg1[%get3A_157, %get3A_158, %get3A_159] : memref<4x16x128xf32, #tpu.memory_space<vmem>>, vector<4x1x128xf32>
    %get3A_161 = vector.shape_cast %get3A_160 : vector<4x1x128xf32> to vector<4x128xf32>
    %get3A_162 = arith.constant 3 : index
    %get3A_163 = arith.constant 0 : index
    %get3A_164 = arith.constant 0 : index
    %get3A_165 = vector.load %arg3[%get3A_162, %get3A_163, %get3A_164] : memref<16x129x512xf32, #tpu.memory_space<vmem>>, vector<1x129x512xf32>
    %get3A_166 = vector.shape_cast %get3A_165 : vector<1x129x512xf32> to vector<129x512xf32>
    %slice3A_167 = vector.extract_strided_slice %get3A_166 {offsets = [0, 0], sizes = [128, 512], strides = [1, 1]} : vector<129x512xf32> to vector<128x512xf32>
    %dot_general3A_168 = arith.constant dense<0.000000e+00> : vector<4x512xf32>
    %dot_general3A_169 = tpu.matmul %get3A_161, %slice3A_167, %dot_general3A_168 {dimension_numbers = #tpu.dot_dimension_numbers<[1], [0], [0], [1], [0, 0, 1, 1], [], []>, transpose_lhs_hint = false} : vector<4x128xf32>, vector<128x512xf32>, vector<4x512xf32> -> vector<4x512xf32>
    %slice3A_170 = vector.extract_strided_slice %get3A_166 {offsets = [128, 0], sizes = [1, 512], strides = [1, 1]} : vector<129x512xf32> to vector<1x512xf32>
    %add3A_171 = vector.broadcast %slice3A_170 : vector<1x512xf32> to vector<4x512xf32>
    %add3A_172 = arith.addf %dot_general3A_169, %add3A_171 : vector<4x512xf32>
    %mul3A_173 = arith.constant 5.000000e-01 : f32
    %mul3A_174 = vector.broadcast %mul3A_173 : f32 to vector<4x512xf32>
    %mul3A_175 = arith.mulf %mul3A_174, %add3A_172 : vector<4x512xf32>
    %mul3A_176 = arith.constant 0.707106769 : f32
    %mul3A_177 = vector.broadcast %mul3A_176 : f32 to vector<4x512xf32>
    %mul3A_178 = arith.mulf %add3A_172, %mul3A_177 : vector<4x512xf32>
    %erf3A_179 = math.erf %mul3A_178 : vector<4x512xf32>
    %add3A_180 = arith.constant 1.000000e+00 : f32
    %add3A_181 = vector.broadcast %add3A_180 : f32 to vector<4x512xf32>
    %add3A_182 = arith.addf %add3A_181, %erf3A_179 : vector<4x512xf32>
    %mul3A_183 = arith.mulf %mul3A_175, %add3A_182 : vector<4x512xf32>
    %get3A_184 = arith.constant 3 : index
    %get3A_185 = arith.constant 0 : index
    %get3A_186 = arith.constant 0 : index
    %get3A_187 = vector.load %arg4[%get3A_184, %get3A_185, %get3A_186] : memref<16x513x128xf32, #tpu.memory_space<vmem>>, vector<1x513x128xf32>
    %get3A_188 = vector.shape_cast %get3A_187 : vector<1x513x128xf32> to vector<513x128xf32>
    %slice3A_189 = vector.extract_strided_slice %get3A_188 {offsets = [0, 0], sizes = [512, 128], strides = [1, 1]} : vector<513x128xf32> to vector<512x128xf32>
    %dot_general3A_190 = arith.constant dense<0.000000e+00> : vector<4x128xf32>
    %dot_general3A_191 = tpu.matmul %mul3A_183, %slice3A_189, %dot_general3A_190 {dimension_numbers = #tpu.dot_dimension_numbers<[1], [0], [0], [1], [0, 0, 1, 1], [], []>, transpose_lhs_hint = false} : vector<4x512xf32>, vector<512x128xf32>, vector<4x128xf32> -> vector<4x128xf32>
    %slice3A_192 = vector.extract_strided_slice %get3A_188 {offsets = [512, 0], sizes = [1, 128], strides = [1, 1]} : vector<513x128xf32> to vector<1x128xf32>
    %add3A_193 = vector.broadcast %slice3A_192 : vector<1x128xf32> to vector<4x128xf32>
    %add3A_194 = arith.addf %dot_general3A_191, %add3A_193 : vector<4x128xf32>
    %get3A_195 = arith.constant 0 : index
    %get3A_196 = arith.constant 3 : index
    %get3A_197 = arith.constant 0 : index
    %get3A_198 = vector.load %arg2[%get3A_195, %get3A_196, %get3A_197] : memref<4x16x16xf32, #tpu.memory_space<vmem>>, vector<4x1x16xf32>
    %get3A_199 = vector.shape_cast %get3A_198 : vector<4x1x16xf32> to vector<4x16xf32>
    %broadcast_in_dim3A_200 = vector.shape_cast %get3A_199 : vector<4x16xf32> to vector<4x16x1xf32>
    %broadcast_in_dim3A_201 = vector.shape_cast %add3A_194 : vector<4x128xf32> to vector<4x1x128xf32>
    %mul3A_202 = vector.broadcast %broadcast_in_dim3A_200 : vector<4x16x1xf32> to vector<4x16x128xf32>
    %mul3A_203 = vector.broadcast %broadcast_in_dim3A_201 : vector<4x1x128xf32> to vector<4x16x128xf32>
    %mul3A_204 = arith.mulf %mul3A_202, %mul3A_203 : vector<4x16x128xf32>
    %swap3A_205 = arith.constant 0 : index
    %swap3A_206 = arith.constant 3 : index
    %swap3A_207 = arith.constant 0 : index
    %swap3A_208 = arith.constant 0 : index
    %swap3A_209 = vector.load %arg5[%swap3A_205, %swap3A_206, %swap3A_207, %swap3A_208] : memref<4x16x16x128xf32, #tpu.memory_space<vmem>>, vector<4x1x16x128xf32>
    %swap3A_210 = vector.shape_cast %swap3A_209 : vector<4x1x16x128xf32> to vector<4x16x128xf32>
    %swap3A_211 = vector.shape_cast %mul3A_204 : vector<4x16x128xf32> to vector<4x1x16x128xf32>
    tpu.vector_store %arg5[%swap3A_205, %swap3A_206, %swap3A_207, %swap3A_208], %swap3A_211 {strides = array<i32>} : memref<4x16x16x128xf32, #tpu.memory_space<vmem>>, vector<4x1x16x128xf32>,
    %get3A_212 = arith.constant 0 : index
    %get3A_213 = arith.constant 4 : index
    %get3A_214 = arith.constant 0 : index
    %get3A_215 = vector.load %arg1[%get3A_212, %get3A_213, %get3A_214] : memref<4x16x128xf32, #tpu.memory_space<vmem>>, vector<4x1x128xf32>
    %get3A_216 = vector.shape_cast %get3A_215 : vector<4x1x128xf32> to vector<4x128xf32>
    %get3A_217 = arith.constant 4 : index
    %get3A_218 = arith.constant 0 : index
    %get3A_219 = arith.constant 0 : index
    %get3A_220 = vector.load %arg3[%get3A_217, %get3A_218, %get3A_219] : memref<16x129x512xf32, #tpu.memory_space<vmem>>, vector<1x129x512xf32>
    %get3A_221 = vector.shape_cast %get3A_220 : vector<1x129x512xf32> to vector<129x512xf32>
    %slice3A_222 = vector.extract_strided_slice %get3A_221 {offsets = [0, 0], sizes = [128, 512], strides = [1, 1]} : vector<129x512xf32> to vector<128x512xf32>
    %dot_general3A_223 = arith.constant dense<0.000000e+00> : vector<4x512xf32>
    %dot_general3A_224 = tpu.matmul %get3A_216, %slice3A_222, %dot_general3A_223 {dimension_numbers = #tpu.dot_dimension_numbers<[1], [0], [0], [1], [0, 0, 1, 1], [], []>, transpose_lhs_hint = false} : vector<4x128xf32>, vector<128x512xf32>, vector<4x512xf32> -> vector<4x512xf32>
    %slice3A_225 = vector.extract_strided_slice %get3A_221 {offsets = [128, 0], sizes = [1, 512], strides = [1, 1]} : vector<129x512xf32> to vector<1x512xf32>
    %add3A_226 = vector.broadcast %slice3A_225 : vector<1x512xf32> to vector<4x512xf32>
    %add3A_227 = arith.addf %dot_general3A_224, %add3A_226 : vector<4x512xf32>
    %mul3A_228 = arith.constant 5.000000e-01 : f32
    %mul3A_229 = vector.broadcast %mul3A_228 : f32 to vector<4x512xf32>
    %mul3A_230 = arith.mulf %mul3A_229, %add3A_227 : vector<4x512xf32>
    %mul3A_231 = arith.constant 0.707106769 : f32
    %mul3A_232 = vector.broadcast %mul3A_231 : f32 to vector<4x512xf32>
    %mul3A_233 = arith.mulf %add3A_227, %mul3A_232 : vector<4x512xf32>
    %erf3A_234 = math.erf %mul3A_233 : vector<4x512xf32>
    %add3A_235 = arith.constant 1.000000e+00 : f32
    %add3A_236 = vector.broadcast %add3A_235 : f32 to vector<4x512xf32>
    %add3A_237 = arith.addf %add3A_236, %erf3A_234 : vector<4x512xf32>
    %mul3A_238 = arith.mulf %mul3A_230, %add3A_237 : vector<4x512xf32>
    %get3A_239 = arith.constant 4 : index
    %get3A_240 = arith.constant 0 : index
    %get3A_241 = arith.constant 0 : index
    %get3A_242 = vector.load %arg4[%get3A_239, %get3A_240, %get3A_241] : memref<16x513x128xf32, #tpu.memory_space<vmem>>, vector<1x513x128xf32>
    %get3A_243 = vector.shape_cast %get3A_242 : vector<1x513x128xf32> to vector<513x128xf32>
    %slice3A_244 = vector.extract_strided_slice %get3A_243 {offsets = [0, 0], sizes = [512, 128], strides = [1, 1]} : vector<513x128xf32> to vector<512x128xf32>
    %dot_general3A_245 = arith.constant dense<0.000000e+00> : vector<4x128xf32>
    %dot_general3A_246 = tpu.matmul %mul3A_238, %slice3A_244, %dot_general3A_245 {dimension_numbers = #tpu.dot_dimension_numbers<[1], [0], [0], [1], [0, 0, 1, 1], [], []>, transpose_lhs_hint = false} : vector<4x512xf32>, vector<512x128xf32>, vector<4x128xf32> -> vector<4x128xf32>
    %slice3A_247 = vector.extract_strided_slice %get3A_243 {offsets = [512, 0], sizes = [1, 128], strides = [1, 1]} : vector<513x128xf32> to vector<1x128xf32>
    %add3A_248 = vector.broadcast %slice3A_247 : vector<1x128xf32> to vector<4x128xf32>
    %add3A_249 = arith.addf %dot_general3A_246, %add3A_248 : vector<4x128xf32>
    %get3A_250 = arith.constant 0 : index
    %get3A_251 = arith.constant 4 : index
    %get3A_252 = arith.constant 0 : index
    %get3A_253 = vector.load %arg2[%get3A_250, %get3A_251, %get3A_252] : memref<4x16x16xf32, #tpu.memory_space<vmem>>, vector<4x1x16xf32>
    %get3A_254 = vector.shape_cast %get3A_253 : vector<4x1x16xf32> to vector<4x16xf32>
    %broadcast_in_dim3A_255 = vector.shape_cast %get3A_254 : vector<4x16xf32> to vector<4x16x1xf32>
    %broadcast_in_dim3A_256 = vector.shape_cast %add3A_249 : vector<4x128xf32> to vector<4x1x128xf32>
    %mul3A_257 = vector.broadcast %broadcast_in_dim3A_255 : vector<4x16x1xf32> to vector<4x16x128xf32>
    %mul3A_258 = vector.broadcast %broadcast_in_dim3A_256 : vector<4x1x128xf32> to vector<4x16x128xf32>
    %mul3A_259 = arith.mulf %mul3A_257, %mul3A_258 : vector<4x16x128xf32>
    %swap3A_260 = arith.constant 0 : index
    %swap3A_261 = arith.constant 4 : index
    %swap3A_262 = arith.constant 0 : index
    %swap3A_263 = arith.constant 0 : index
    %swap3A_264 = vector.load %arg5[%swap3A_260, %swap3A_261, %swap3A_262, %swap3A_263] : memref<4x16x16x128xf32, #tpu.memory_space<vmem>>, vector<4x1x16x128xf32>
    %swap3A_265 = vector.shape_cast %swap3A_264 : vector<4x1x16x128xf32> to vector<4x16x128xf32>
    %swap3A_266 = vector.shape_cast %mul3A_259 : vector<4x16x128xf32> to vector<4x1x16x128xf32>
    tpu.vector_store %arg5[%swap3A_260, %swap3A_261, %swap3A_262, %swap3A_263], %swap3A_266 {strides = array<i32>} : memref<4x16x16x128xf32, #tpu.memory_space<vmem>>, vector<4x1x16x128xf32>,
    %get3A_267 = arith.constant 0 : index
    %get3A_268 = arith.constant 5 : index
    %get3A_269 = arith.constant 0 : index
    %get3A_270 = vector.load %arg1[%get3A_267, %get3A_268, %get3A_269] : memref<4x16x128xf32, #tpu.memory_space<vmem>>, vector<4x1x128xf32>
    %get3A_271 = vector.shape_cast %get3A_270 : vector<4x1x128xf32> to vector<4x128xf32>
    %get3A_272 = arith.constant 5 : index
    %get3A_273 = arith.constant 0 : index
    %get3A_274 = arith.constant 0 : index
    %get3A_275 = vector.load %arg3[%get3A_272, %get3A_273, %get3A_274] : memref<16x129x512xf32, #tpu.memory_space<vmem>>, vector<1x129x512xf32>
    %get3A_276 = vector.shape_cast %get3A_275 : vector<1x129x512xf32> to vector<129x512xf32>
    %slice3A_277 = vector.extract_strided_slice %get3A_276 {offsets = [0, 0], sizes = [128, 512], strides = [1, 1]} : vector<129x512xf32> to vector<128x512xf32>
    %dot_general3A_278 = arith.constant dense<0.000000e+00> : vector<4x512xf32>
    %dot_general3A_279 = tpu.matmul %get3A_271, %slice3A_277, %dot_general3A_278 {dimension_numbers = #tpu.dot_dimension_numbers<[1], [0], [0], [1], [0, 0, 1, 1], [], []>, transpose_lhs_hint = false} : vector<4x128xf32>, vector<128x512xf32>, vector<4x512xf32> -> vector<4x512xf32>
    %slice3A_280 = vector.extract_strided_slice %get3A_276 {offsets = [128, 0], sizes = [1, 512], strides = [1, 1]} : vector<129x512xf32> to vector<1x512xf32>
    %add3A_281 = vector.broadcast %slice3A_280 : vector<1x512xf32> to vector<4x512xf32>
    %add3A_282 = arith.addf %dot_general3A_279, %add3A_281 : vector<4x512xf32>
    %mul3A_283 = arith.constant 5.000000e-01 : f32
    %mul3A_284 = vector.broadcast %mul3A_283 : f32 to vector<4x512xf32>
    %mul3A_285 = arith.mulf %mul3A_284, %add3A_282 : vector<4x512xf32>
    %mul3A_286 = arith.constant 0.707106769 : f32
    %mul3A_287 = vector.broadcast %mul3A_286 : f32 to vector<4x512xf32>
    %mul3A_288 = arith.mulf %add3A_282, %mul3A_287 : vector<4x512xf32>
    %erf3A_289 = math.erf %mul3A_288 : vector<4x512xf32>
    %add3A_290 = arith.constant 1.000000e+00 : f32
    %add3A_291 = vector.broadcast %add3A_290 : f32 to vector<4x512xf32>
    %add3A_292 = arith.addf %add3A_291, %erf3A_289 : vector<4x512xf32>
    %mul3A_293 = arith.mulf %mul3A_285, %add3A_292 : vector<4x512xf32>
    %get3A_294 = arith.constant 5 : index
    %get3A_295 = arith.constant 0 : index
    %get3A_296 = arith.constant 0 : index
    %get3A_297 = vector.load %arg4[%get3A_294, %get3A_295, %get3A_296] : memref<16x513x128xf32, #tpu.memory_space<vmem>>, vector<1x513x128xf32>
    %get3A_298 = vector.shape_cast %get3A_297 : vector<1x513x128xf32> to vector<513x128xf32>
    %slice3A_299 = vector.extract_strided_slice %get3A_298 {offsets = [0, 0], sizes = [512, 128], strides = [1, 1]} : vector<513x128xf32> to vector<512x128xf32>
    %dot_general3A_300 = arith.constant dense<0.000000e+00> : vector<4x128xf32>
    %dot_general3A_301 = tpu.matmul %mul3A_293, %slice3A_299, %dot_general3A_300 {dimension_numbers = #tpu.dot_dimension_numbers<[1], [0], [0], [1], [0, 0, 1, 1], [], []>, transpose_lhs_hint = false} : vector<4x512xf32>, vector<512x128xf32>, vector<4x128xf32> -> vector<4x128xf32>
    %slice3A_302 = vector.extract_strided_slice %get3A_298 {offsets = [512, 0], sizes = [1, 128], strides = [1, 1]} : vector<513x128xf32> to vector<1x128xf32>
    %add3A_303 = vector.broadcast %slice3A_302 : vector<1x128xf32> to vector<4x128xf32>
    %add3A_304 = arith.addf %dot_general3A_301, %add3A_303 : vector<4x128xf32>
    %get3A_305 = arith.constant 0 : index
    %get3A_306 = arith.constant 5 : index
    %get3A_307 = arith.constant 0 : index
    %get3A_308 = vector.load %arg2[%get3A_305, %get3A_306, %get3A_307] : memref<4x16x16xf32, #tpu.memory_space<vmem>>, vector<4x1x16xf32>
    %get3A_309 = vector.shape_cast %get3A_308 : vector<4x1x16xf32> to vector<4x16xf32>
    %broadcast_in_dim3A_310 = vector.shape_cast %get3A_309 : vector<4x16xf32> to vector<4x16x1xf32>
    %broadcast_in_dim3A_311 = vector.shape_cast %add3A_304 : vector<4x128xf32> to vector<4x1x128xf32>
    %mul3A_312 = vector.broadcast %broadcast_in_dim3A_310 : vector<4x16x1xf32> to vector<4x16x128xf32>
    %mul3A_313 = vector.broadcast %broadcast_in_dim3A_311 : vector<4x1x128xf32> to vector<4x16x128xf32>
    %mul3A_314 = arith.mulf %mul3A_312, %mul3A_313 : vector<4x16x128xf32>
    %swap3A_315 = arith.constant 0 : index
    %swap3A_316 = arith.constant 5 : index
    %swap3A_317 = arith.constant 0 : index
    %swap3A_318 = arith.constant 0 : index
    %swap3A_319 = vector.load %arg5[%swap3A_315, %swap3A_316, %swap3A_317, %swap3A_318] : memref<4x16x16x128xf32, #tpu.memory_space<vmem>>, vector<4x1x16x128xf32>
    %swap3A_320 = vector.shape_cast %swap3A_319 : vector<4x1x16x128xf32> to vector<4x16x128xf32>
    %swap3A_321 = vector.shape_cast %mul3A_314 : vector<4x16x128xf32> to vector<4x1x16x128xf32>
    tpu.vector_store %arg5[%swap3A_315, %swap3A_316, %swap3A_317, %swap3A_318], %swap3A_321 {strides = array<i32>} : memref<4x16x16x128xf32, #tpu.memory_space<vmem>>, vector<4x1x16x128xf32>,
    %get3A_322 = arith.constant 0 : index
    %get3A_323 = arith.constant 6 : index
    %get3A_324 = arith.constant 0 : index
    %get3A_325 = vector.load %arg1[%get3A_322, %get3A_323, %get3A_324] : memref<4x16x128xf32, #tpu.memory_space<vmem>>, vector<4x1x128xf32>
    %get3A_326 = vector.shape_cast %get3A_325 : vector<4x1x128xf32> to vector<4x128xf32>
    %get3A_327 = arith.constant 6 : index
    %get3A_328 = arith.constant 0 : index
    %get3A_329 = arith.constant 0 : index
    %get3A_330 = vector.load %arg3[%get3A_327, %get3A_328, %get3A_329] : memref<16x129x512xf32, #tpu.memory_space<vmem>>, vector<1x129x512xf32>
    %get3A_331 = vector.shape_cast %get3A_330 : vector<1x129x512xf32> to vector<129x512xf32>
    %slice3A_332 = vector.extract_strided_slice %get3A_331 {offsets = [0, 0], sizes = [128, 512], strides = [1, 1]} : vector<129x512xf32> to vector<128x512xf32>
    %dot_general3A_333 = arith.constant dense<0.000000e+00> : vector<4x512xf32>
    %dot_general3A_334 = tpu.matmul %get3A_326, %slice3A_332, %dot_general3A_333 {dimension_numbers = #tpu.dot_dimension_numbers<[1], [0], [0], [1], [0, 0, 1, 1], [], []>, transpose_lhs_hint = false} : vector<4x128xf32>, vector<128x512xf32>, vector<4x512xf32> -> vector<4x512xf32>
    %slice3A_335 = vector.extract_strided_slice %get3A_331 {offsets = [128, 0], sizes = [1, 512], strides = [1, 1]} : vector<129x512xf32> to vector<1x512xf32>
    %add3A_336 = vector.broadcast %slice3A_335 : vector<1x512xf32> to vector<4x512xf32>
    %add3A_337 = arith.addf %dot_general3A_334, %add3A_336 : vector<4x512xf32>
    %mul3A_338 = arith.constant 5.000000e-01 : f32
    %mul3A_339 = vector.broadcast %mul3A_338 : f32 to vector<4x512xf32>
    %mul3A_340 = arith.mulf %mul3A_339, %add3A_337 : vector<4x512xf32>
    %mul3A_341 = arith.constant 0.707106769 : f32
    %mul3A_342 = vector.broadcast %mul3A_341 : f32 to vector<4x512xf32>
    %mul3A_343 = arith.mulf %add3A_337, %mul3A_342 : vector<4x512xf32>
    %erf3A_344 = math.erf %mul3A_343 : vector<4x512xf32>
    %add3A_345 = arith.constant 1.000000e+00 : f32
    %add3A_346 = vector.broadcast %add3A_345 : f32 to vector<4x512xf32>
    %add3A_347 = arith.addf %add3A_346, %erf3A_344 : vector<4x512xf32>
    %mul3A_348 = arith.mulf %mul3A_340, %add3A_347 : vector<4x512xf32>
    %get3A_349 = arith.constant 6 : index
    %get3A_350 = arith.constant 0 : index
    %get3A_351 = arith.constant 0 : index
    %get3A_352 = vector.load %arg4[%get3A_349, %get3A_350, %get3A_351] : memref<16x513x128xf32, #tpu.memory_space<vmem>>, vector<1x513x128xf32>
    %get3A_353 = vector.shape_cast %get3A_352 : vector<1x513x128xf32> to vector<513x128xf32>
    %slice3A_354 = vector.extract_strided_slice %get3A_353 {offsets = [0, 0], sizes = [512, 128], strides = [1, 1]} : vector<513x128xf32> to vector<512x128xf32>
    %dot_general3A_355 = arith.constant dense<0.000000e+00> : vector<4x128xf32>
    %dot_general3A_356 = tpu.matmul %mul3A_348, %slice3A_354, %dot_general3A_355 {dimension_numbers = #tpu.dot_dimension_numbers<[1], [0], [0], [1], [0, 0, 1, 1], [], []>, transpose_lhs_hint = false} : vector<4x512xf32>, vector<512x128xf32>, vector<4x128xf32> -> vector<4x128xf32>
    %slice3A_357 = vector.extract_strided_slice %get3A_353 {offsets = [512, 0], sizes = [1, 128], strides = [1, 1]} : vector<513x128xf32> to vector<1x128xf32>
    %add3A_358 = vector.broadcast %slice3A_357 : vector<1x128xf32> to vector<4x128xf32>
    %add3A_359 = arith.addf %dot_general3A_356, %add3A_358 : vector<4x128xf32>
    %get3A_360 = arith.constant 0 : index
    %get3A_361 = arith.constant 6 : index
    %get3A_362 = arith.constant 0 : index
    %get3A_363 = vector.load %arg2[%get3A_360, %get3A_361, %get3A_362] : memref<4x16x16xf32, #tpu.memory_space<vmem>>, vector<4x1x16xf32>
    %get3A_364 = vector.shape_cast %get3A_363 : vector<4x1x16xf32> to vector<4x16xf32>
    %broadcast_in_dim3A_365 = vector.shape_cast %get3A_364 : vector<4x16xf32> to vector<4x16x1xf32>
    %broadcast_in_dim3A_366 = vector.shape_cast %add3A_359 : vector<4x128xf32> to vector<4x1x128xf32>
    %mul3A_367 = vector.broadcast %broadcast_in_dim3A_365 : vector<4x16x1xf32> to vector<4x16x128xf32>
    %mul3A_368 = vector.broadcast %broadcast_in_dim3A_366 : vector<4x1x128xf32> to vector<4x16x128xf32>
    %mul3A_369 = arith.mulf %mul3A_367, %mul3A_368 : vector<4x16x128xf32>
    %swap3A_370 = arith.constant 0 : index
    %swap3A_371 = arith.constant 6 : index
    %swap3A_372 = arith.constant 0 : index
    %swap3A_373 = arith.constant 0 : index
    %swap3A_374 = vector.load %arg5[%swap3A_370, %swap3A_371, %swap3A_372, %swap3A_373] : memref<4x16x16x128xf32, #tpu.memory_space<vmem>>, vector<4x1x16x128xf32>
    %swap3A_375 = vector.shape_cast %swap3A_374 : vector<4x1x16x128xf32> to vector<4x16x128xf32>
    %swap3A_376 = vector.shape_cast %mul3A_369 : vector<4x16x128xf32> to vector<4x1x16x128xf32>
    tpu.vector_store %arg5[%swap3A_370, %swap3A_371, %swap3A_372, %swap3A_373], %swap3A_376 {strides = array<i32>} : memref<4x16x16x128xf32, #tpu.memory_space<vmem>>, vector<4x1x16x128xf32>,
    %get3A_377 = arith.constant 0 : index
    %get3A_378 = arith.constant 7 : index
    %get3A_379 = arith.constant 0 : index
    %get3A_380 = vector.load %arg1[%get3A_377, %get3A_378, %get3A_379] : memref<4x16x128xf32, #tpu.memory_space<vmem>>, vector<4x1x128xf32>
    %get3A_381 = vector.shape_cast %get3A_380 : vector<4x1x128xf32> to vector<4x128xf32>
    %get3A_382 = arith.constant 7 : index
    %get3A_383 = arith.constant 0 : index
    %get3A_384 = arith.constant 0 : index
    %get3A_385 = vector.load %arg3[%get3A_382, %get3A_383, %get3A_384] : memref<16x129x512xf32, #tpu.memory_space<vmem>>, vector<1x129x512xf32>
    %get3A_386 = vector.shape_cast %get3A_385 : vector<1x129x512xf32> to vector<129x512xf32>
    %slice3A_387 = vector.extract_strided_slice %get3A_386 {offsets = [0, 0], sizes = [128, 512], strides = [1, 1]} : vector<129x512xf32> to vector<128x512xf32>
    %dot_general3A_388 = arith.constant dense<0.000000e+00> : vector<4x512xf32>
    %dot_general3A_389 = tpu.matmul %get3A_381, %slice3A_387, %dot_general3A_388 {dimension_numbers = #tpu.dot_dimension_numbers<[1], [0], [0], [1], [0, 0, 1, 1], [], []>, transpose_lhs_hint = false} : vector<4x128xf32>, vector<128x512xf32>, vector<4x512xf32> -> vector<4x512xf32>
    %slice3A_390 = vector.extract_strided_slice %get3A_386 {offsets = [128, 0], sizes = [1, 512], strides = [1, 1]} : vector<129x512xf32> to vector<1x512xf32>
    %add3A_391 = vector.broadcast %slice3A_390 : vector<1x512xf32> to vector<4x512xf32>
    %add3A_392 = arith.addf %dot_general3A_389, %add3A_391 : vector<4x512xf32>
    %mul3A_393 = arith.constant 5.000000e-01 : f32
    %mul3A_394 = vector.broadcast %mul3A_393 : f32 to vector<4x512xf32>
    %mul3A_395 = arith.mulf %mul3A_394, %add3A_392 : vector<4x512xf32>
    %mul3A_396 = arith.constant 0.707106769 : f32
    %mul3A_397 = vector.broadcast %mul3A_396 : f32 to vector<4x512xf32>
    %mul3A_398 = arith.mulf %add3A_392, %mul3A_397 : vector<4x512xf32>
    %erf3A_399 = math.erf %mul3A_398 : vector<4x512xf32>
    %add3A_400 = arith.constant 1.000000e+00 : f32
    %add3A_401 = vector.broadcast %add3A_400 : f32 to vector<4x512xf32>
    %add3A_402 = arith.addf %add3A_401, %erf3A_399 : vector<4x512xf32>
    %mul3A_403 = arith.mulf %mul3A_395, %add3A_402 : vector<4x512xf32>
    %get3A_404 = arith.constant 7 : index
    %get3A_405 = arith.constant 0 : index
    %get3A_406 = arith.constant 0 : index
    %get3A_407 = vector.load %arg4[%get3A_404, %get3A_405, %get3A_406] : memref<16x513x128xf32, #tpu.memory_space<vmem>>, vector<1x513x128xf32>
    %get3A_408 = vector.shape_cast %get3A_407 : vector<1x513x128xf32> to vector<513x128xf32>
    %slice3A_409 = vector.extract_strided_slice %get3A_408 {offsets = [0, 0], sizes = [512, 128], strides = [1, 1]} : vector<513x128xf32> to vector<512x128xf32>
    %dot_general3A_410 = arith.constant dense<0.000000e+00> : vector<4x128xf32>
    %dot_general3A_411 = tpu.matmul %mul3A_403, %slice3A_409, %dot_general3A_410 {dimension_numbers = #tpu.dot_dimension_numbers<[1], [0], [0], [1], [0, 0, 1, 1], [], []>, transpose_lhs_hint = false} : vector<4x512xf32>, vector<512x128xf32>, vector<4x128xf32> -> vector<4x128xf32>
    %slice3A_412 = vector.extract_strided_slice %get3A_408 {offsets = [512, 0], sizes = [1, 128], strides = [1, 1]} : vector<513x128xf32> to vector<1x128xf32>
    %add3A_413 = vector.broadcast %slice3A_412 : vector<1x128xf32> to vector<4x128xf32>
    %add3A_414 = arith.addf %dot_general3A_411, %add3A_413 : vector<4x128xf32>
    %get3A_415 = arith.constant 0 : index
    %get3A_416 = arith.constant 7 : index
    %get3A_417 = arith.constant 0 : index
    %get3A_418 = vector.load %arg2[%get3A_415, %get3A_416, %get3A_417] : memref<4x16x16xf32, #tpu.memory_space<vmem>>, vector<4x1x16xf32>
    %get3A_419 = vector.shape_cast %get3A_418 : vector<4x1x16xf32> to vector<4x16xf32>
    %broadcast_in_dim3A_420 = vector.shape_cast %get3A_419 : vector<4x16xf32> to vector<4x16x1xf32>
    %broadcast_in_dim3A_421 = vector.shape_cast %add3A_414 : vector<4x128xf32> to vector<4x1x128xf32>
    %mul3A_422 = vector.broadcast %broadcast_in_dim3A_420 : vector<4x16x1xf32> to vector<4x16x128xf32>
    %mul3A_423 = vector.broadcast %broadcast_in_dim3A_421 : vector<4x1x128xf32> to vector<4x16x128xf32>
    %mul3A_424 = arith.mulf %mul3A_422, %mul3A_423 : vector<4x16x128xf32>
    %swap3A_425 = arith.constant 0 : index
    %swap3A_426 = arith.constant 7 : index
    %swap3A_427 = arith.constant 0 : index
    %swap3A_428 = arith.constant 0 : index
    %swap3A_429 = vector.load %arg5[%swap3A_425, %swap3A_426, %swap3A_427, %swap3A_428] : memref<4x16x16x128xf32, #tpu.memory_space<vmem>>, vector<4x1x16x128xf32>
    %swap3A_430 = vector.shape_cast %swap3A_429 : vector<4x1x16x128xf32> to vector<4x16x128xf32>
    %swap3A_431 = vector.shape_cast %mul3A_424 : vector<4x16x128xf32> to vector<4x1x16x128xf32>
    tpu.vector_store %arg5[%swap3A_425, %swap3A_426, %swap3A_427, %swap3A_428], %swap3A_431 {strides = array<i32>} : memref<4x16x16x128xf32, #tpu.memory_space<vmem>>, vector<4x1x16x128xf32>,
    %get3A_432 = arith.constant 0 : index
    %get3A_433 = arith.constant 8 : index
    %get3A_434 = arith.constant 0 : index
    %get3A_435 = vector.load %arg1[%get3A_432, %get3A_433, %get3A_434] : memref<4x16x128xf32, #tpu.memory_space<vmem>>, vector<4x1x128xf32>
    %get3A_436 = vector.shape_cast %get3A_435 : vector<4x1x128xf32> to vector<4x128xf32>
    %get3A_437 = arith.constant 8 : index
    %get3A_438 = arith.constant 0 : index
    %get3A_439 = arith.constant 0 : index
    %get3A_440 = vector.load %arg3[%get3A_437, %get3A_438, %get3A_439] : memref<16x129x512xf32, #tpu.memory_space<vmem>>, vector<1x129x512xf32>
    %get3A_441 = vector.shape_cast %get3A_440 : vector<1x129x512xf32> to vector<129x512xf32>
    %slice3A_442 = vector.extract_strided_slice %get3A_441 {offsets = [0, 0], sizes = [128, 512], strides = [1, 1]} : vector<129x512xf32> to vector<128x512xf32>
    %dot_general3A_443 = arith.constant dense<0.000000e+00> : vector<4x512xf32>
    %dot_general3A_444 = tpu.matmul %get3A_436, %slice3A_442, %dot_general3A_443 {dimension_numbers = #tpu.dot_dimension_numbers<[1], [0], [0], [1], [0, 0, 1, 1], [], []>, transpose_lhs_hint = false} : vector<4x128xf32>, vector<128x512xf32>, vector<4x512xf32> -> vector<4x512xf32>
    %slice3A_445 = vector.extract_strided_slice %get3A_441 {offsets = [128, 0], sizes = [1, 512], strides = [1, 1]} : vector<129x512xf32> to vector<1x512xf32>
    %add3A_446 = vector.broadcast %slice3A_445 : vector<1x512xf32> to vector<4x512xf32>
    %add3A_447 = arith.addf %dot_general3A_444, %add3A_446 : vector<4x512xf32>
    %mul3A_448 = arith.constant 5.000000e-01 : f32
    %mul3A_449 = vector.broadcast %mul3A_448 : f32 to vector<4x512xf32>
    %mul3A_450 = arith.mulf %mul3A_449, %add3A_447 : vector<4x512xf32>
    %mul3A_451 = arith.constant 0.707106769 : f32
    %mul3A_452 = vector.broadcast %mul3A_451 : f32 to vector<4x512xf32>
    %mul3A_453 = arith.mulf %add3A_447, %mul3A_452 : vector<4x512xf32>
    %erf3A_454 = math.erf %mul3A_453 : vector<4x512xf32>
    %add3A_455 = arith.constant 1.000000e+00 : f32
    %add3A_456 = vector.broadcast %add3A_455 : f32 to vector<4x512xf32>
    %add3A_457 = arith.addf %add3A_456, %erf3A_454 : vector<4x512xf32>
    %mul3A_458 = arith.mulf %mul3A_450, %add3A_457 : vector<4x512xf32>
    %get3A_459 = arith.constant 8 : index
    %get3A_460 = arith.constant 0 : index
    %get3A_461 = arith.constant 0 : index
    %get3A_462 = vector.load %arg4[%get3A_459, %get3A_460, %get3A_461] : memref<16x513x128xf32, #tpu.memory_space<vmem>>, vector<1x513x128xf32>
    %get3A_463 = vector.shape_cast %get3A_462 : vector<1x513x128xf32> to vector<513x128xf32>
    %slice3A_464 = vector.extract_strided_slice %get3A_463 {offsets = [0, 0], sizes = [512, 128], strides = [1, 1]} : vector<513x128xf32> to vector<512x128xf32>
    %dot_general3A_465 = arith.constant dense<0.000000e+00> : vector<4x128xf32>
    %dot_general3A_466 = tpu.matmul %mul3A_458, %slice3A_464, %dot_general3A_465 {dimension_numbers = #tpu.dot_dimension_numbers<[1], [0], [0], [1], [0, 0, 1, 1], [], []>, transpose_lhs_hint = false} : vector<4x512xf32>, vector<512x128xf32>, vector<4x128xf32> -> vector<4x128xf32>
    %slice3A_467 = vector.extract_strided_slice %get3A_463 {offsets = [512, 0], sizes = [1, 128], strides = [1, 1]} : vector<513x128xf32> to vector<1x128xf32>
    %add3A_468 = vector.broadcast %slice3A_467 : vector<1x128xf32> to vector<4x128xf32>
    %add3A_469 = arith.addf %dot_general3A_466, %add3A_468 : vector<4x128xf32>
    %get3A_470 = arith.constant 0 : index
    %get3A_471 = arith.constant 8 : index
    %get3A_472 = arith.constant 0 : index
    %get3A_473 = vector.load %arg2[%get3A_470, %get3A_471, %get3A_472] : memref<4x16x16xf32, #tpu.memory_space<vmem>>, vector<4x1x16xf32>
    %get3A_474 = vector.shape_cast %get3A_473 : vector<4x1x16xf32> to vector<4x16xf32>
    %broadcast_in_dim3A_475 = vector.shape_cast %get3A_474 : vector<4x16xf32> to vector<4x16x1xf32>
    %broadcast_in_dim3A_476 = vector.shape_cast %add3A_469 : vector<4x128xf32> to vector<4x1x128xf32>
    %mul3A_477 = vector.broadcast %broadcast_in_dim3A_475 : vector<4x16x1xf32> to vector<4x16x128xf32>
    %mul3A_478 = vector.broadcast %broadcast_in_dim3A_476 : vector<4x1x128xf32> to vector<4x16x128xf32>
    %mul3A_479 = arith.mulf %mul3A_477, %mul3A_478 : vector<4x16x128xf32>
    %swap3A_480 = arith.constant 0 : index
    %swap3A_481 = arith.constant 8 : index
    %swap3A_482 = arith.constant 0 : index
    %swap3A_483 = arith.constant 0 : index
    %swap3A_484 = vector.load %arg5[%swap3A_480, %swap3A_481, %swap3A_482, %swap3A_483] : memref<4x16x16x128xf32, #tpu.memory_space<vmem>>, vector<4x1x16x128xf32>
    %swap3A_485 = vector.shape_cast %swap3A_484 : vector<4x1x16x128xf32> to vector<4x16x128xf32>
    %swap3A_486 = vector.shape_cast %mul3A_479 : vector<4x16x128xf32> to vector<4x1x16x128xf32>
    tpu.vector_store %arg5[%swap3A_480, %swap3A_481, %swap3A_482, %swap3A_483], %swap3A_486 {strides = array<i32>} : memref<4x16x16x128xf32, #tpu.memory_space<vmem>>, vector<4x1x16x128xf32>,
    %get3A_487 = arith.constant 0 : index
    %get3A_488 = arith.constant 9 : index
    %get3A_489 = arith.constant 0 : index
    %get3A_490 = vector.load %arg1[%get3A_487, %get3A_488, %get3A_489] : memref<4x16x128xf32, #tpu.memory_space<vmem>>, vector<4x1x128xf32>
    %get3A_491 = vector.shape_cast %get3A_490 : vector<4x1x128xf32> to vector<4x128xf32>
    %get3A_492 = arith.constant 9 : index
    %get3A_493 = arith.constant 0 : index
    %get3A_494 = arith.constant 0 : index
    %get3A_495 = vector.load %arg3[%get3A_492, %get3A_493, %get3A_494] : memref<16x129x512xf32, #tpu.memory_space<vmem>>, vector<1x129x512xf32>
    %get3A_496 = vector.shape_cast %get3A_495 : vector<1x129x512xf32> to vector<129x512xf32>
    %slice3A_497 = vector.extract_strided_slice %get3A_496 {offsets = [0, 0], sizes = [128, 512], strides = [1, 1]} : vector<129x512xf32> to vector<128x512xf32>
    %dot_general3A_498 = arith.constant dense<0.000000e+00> : vector<4x512xf32>
    %dot_general3A_499 = tpu.matmul %get3A_491, %slice3A_497, %dot_general3A_498 {dimension_numbers = #tpu.dot_dimension_numbers<[1], [0], [0], [1], [0, 0, 1, 1], [], []>, transpose_lhs_hint = false} : vector<4x128xf32>, vector<128x512xf32>, vector<4x512xf32> -> vector<4x512xf32>
    %slice3A_500 = vector.extract_strided_slice %get3A_496 {offsets = [128, 0], sizes = [1, 512], strides = [1, 1]} : vector<129x512xf32> to vector<1x512xf32>
    %add3A_501 = vector.broadcast %slice3A_500 : vector<1x512xf32> to vector<4x512xf32>
    %add3A_502 = arith.addf %dot_general3A_499, %add3A_501 : vector<4x512xf32>
    %mul3A_503 = arith.constant 5.000000e-01 : f32
    %mul3A_504 = vector.broadcast %mul3A_503 : f32 to vector<4x512xf32>
    %mul3A_505 = arith.mulf %mul3A_504, %add3A_502 : vector<4x512xf32>
    %mul3A_506 = arith.constant 0.707106769 : f32
    %mul3A_507 = vector.broadcast %mul3A_506 : f32 to vector<4x512xf32>
    %mul3A_508 = arith.mulf %add3A_502, %mul3A_507 : vector<4x512xf32>
    %erf3A_509 = math.erf %mul3A_508 : vector<4x512xf32>
    %add3A_510 = arith.constant 1.000000e+00 : f32
    %add3A_511 = vector.broadcast %add3A_510 : f32 to vector<4x512xf32>
    %add3A_512 = arith.addf %add3A_511, %erf3A_509 : vector<4x512xf32>
    %mul3A_513 = arith.mulf %mul3A_505, %add3A_512 : vector<4x512xf32>
    %get3A_514 = arith.constant 9 : index
    %get3A_515 = arith.constant 0 : index
    %get3A_516 = arith.constant 0 : index
    %get3A_517 = vector.load %arg4[%get3A_514, %get3A_515, %get3A_516] : memref<16x513x128xf32, #tpu.memory_space<vmem>>, vector<1x513x128xf32>
    %get3A_518 = vector.shape_cast %get3A_517 : vector<1x513x128xf32> to vector<513x128xf32>
    %slice3A_519 = vector.extract_strided_slice %get3A_518 {offsets = [0, 0], sizes = [512, 128], strides = [1, 1]} : vector<513x128xf32> to vector<512x128xf32>
    %dot_general3A_520 = arith.constant dense<0.000000e+00> : vector<4x128xf32>
    %dot_general3A_521 = tpu.matmul %mul3A_513, %slice3A_519, %dot_general3A_520 {dimension_numbers = #tpu.dot_dimension_numbers<[1], [0], [0], [1], [0, 0, 1, 1], [], []>, transpose_lhs_hint = false} : vector<4x512xf32>, vector<512x128xf32>, vector<4x128xf32> -> vector<4x128xf32>
    %slice3A_522 = vector.extract_strided_slice %get3A_518 {offsets = [512, 0], sizes = [1, 128], strides = [1, 1]} : vector<513x128xf32> to vector<1x128xf32>
    %add3A_523 = vector.broadcast %slice3A_522 : vector<1x128xf32> to vector<4x128xf32>
    %add3A_524 = arith.addf %dot_general3A_521, %add3A_523 : vector<4x128xf32>
    %get3A_525 = arith.constant 0 : index
    %get3A_526 = arith.constant 9 : index
    %get3A_527 = arith.constant 0 : index
    %get3A_528 = vector.load %arg2[%get3A_525, %get3A_526, %get3A_527] : memref<4x16x16xf32, #tpu.memory_space<vmem>>, vector<4x1x16xf32>
    %get3A_529 = vector.shape_cast %get3A_528 : vector<4x1x16xf32> to vector<4x16xf32>
    %broadcast_in_dim3A_530 = vector.shape_cast %get3A_529 : vector<4x16xf32> to vector<4x16x1xf32>
    %broadcast_in_dim3A_531 = vector.shape_cast %add3A_524 : vector<4x128xf32> to vector<4x1x128xf32>
    %mul3A_532 = vector.broadcast %broadcast_in_dim3A_530 : vector<4x16x1xf32> to vector<4x16x128xf32>
    %mul3A_533 = vector.broadcast %broadcast_in_dim3A_531 : vector<4x1x128xf32> to vector<4x16x128xf32>
    %mul3A_534 = arith.mulf %mul3A_532, %mul3A_533 : vector<4x16x128xf32>
    %swap3A_535 = arith.constant 0 : index
    %swap3A_536 = arith.constant 9 : index
    %swap3A_537 = arith.constant 0 : index
    %swap3A_538 = arith.constant 0 : index
    %swap3A_539 = vector.load %arg5[%swap3A_535, %swap3A_536, %swap3A_537, %swap3A_538] : memref<4x16x16x128xf32, #tpu.memory_space<vmem>>, vector<4x1x16x128xf32>
    %swap3A_540 = vector.shape_cast %swap3A_539 : vector<4x1x16x128xf32> to vector<4x16x128xf32>
    %swap3A_541 = vector.shape_cast %mul3A_534 : vector<4x16x128xf32> to vector<4x1x16x128xf32>
    tpu.vector_store %arg5[%swap3A_535, %swap3A_536, %swap3A_537, %swap3A_538], %swap3A_541 {strides = array<i32>} : memref<4x16x16x128xf32, #tpu.memory_space<vmem>>, vector<4x1x16x128xf32>,
    %get3A_542 = arith.constant 0 : index
    %get3A_543 = arith.constant 10 : index
    %get3A_544 = arith.constant 0 : index
    %get3A_545 = vector.load %arg1[%get3A_542, %get3A_543, %get3A_544] : memref<4x16x128xf32, #tpu.memory_space<vmem>>, vector<4x1x128xf32>
    %get3A_546 = vector.shape_cast %get3A_545 : vector<4x1x128xf32> to vector<4x128xf32>
    %get3A_547 = arith.constant 10 : index
    %get3A_548 = arith.constant 0 : index
    %get3A_549 = arith.constant 0 : index
    %get3A_550 = vector.load %arg3[%get3A_547, %get3A_548, %get3A_549] : memref<16x129x512xf32, #tpu.memory_space<vmem>>, vector<1x129x512xf32>
    %get3A_551 = vector.shape_cast %get3A_550 : vector<1x129x512xf32> to vector<129x512xf32>
    %slice3A_552 = vector.extract_strided_slice %get3A_551 {offsets = [0, 0], sizes = [128, 512], strides = [1, 1]} : vector<129x512xf32> to vector<128x512xf32>
    %dot_general3A_553 = arith.constant dense<0.000000e+00> : vector<4x512xf32>
    %dot_general3A_554 = tpu.matmul %get3A_546, %slice3A_552, %dot_general3A_553 {dimension_numbers = #tpu.dot_dimension_numbers<[1], [0], [0], [1], [0, 0, 1, 1], [], []>, transpose_lhs_hint = false} : vector<4x128xf32>, vector<128x512xf32>, vector<4x512xf32> -> vector<4x512xf32>
    %slice3A_555 = vector.extract_strided_slice %get3A_551 {offsets = [128, 0], sizes = [1, 512], strides = [1, 1]} : vector<129x512xf32> to vector<1x512xf32>
    %add3A_556 = vector.broadcast %slice3A_555 : vector<1x512xf32> to vector<4x512xf32>
    %add3A_557 = arith.addf %dot_general3A_554, %add3A_556 : vector<4x512xf32>
    %mul3A_558 = arith.constant 5.000000e-01 : f32
    %mul3A_559 = vector.broadcast %mul3A_558 : f32 to vector<4x512xf32>
    %mul3A_560 = arith.mulf %mul3A_559, %add3A_557 : vector<4x512xf32>
    %mul3A_561 = arith.constant 0.707106769 : f32
    %mul3A_562 = vector.broadcast %mul3A_561 : f32 to vector<4x512xf32>
    %mul3A_563 = arith.mulf %add3A_557, %mul3A_562 : vector<4x512xf32>
    %erf3A_564 = math.erf %mul3A_563 : vector<4x512xf32>
    %add3A_565 = arith.constant 1.000000e+00 : f32
    %add3A_566 = vector.broadcast %add3A_565 : f32 to vector<4x512xf32>
    %add3A_567 = arith.addf %add3A_566, %erf3A_564 : vector<4x512xf32>
    %mul3A_568 = arith.mulf %mul3A_560, %add3A_567 : vector<4x512xf32>
    %get3A_569 = arith.constant 10 : index
    %get3A_570 = arith.constant 0 : index
    %get3A_571 = arith.constant 0 : index
    %get3A_572 = vector.load %arg4[%get3A_569, %get3A_570, %get3A_571] : memref<16x513x128xf32, #tpu.memory_space<vmem>>, vector<1x513x128xf32>
    %get3A_573 = vector.shape_cast %get3A_572 : vector<1x513x128xf32> to vector<513x128xf32>
    %slice3A_574 = vector.extract_strided_slice %get3A_573 {offsets = [0, 0], sizes = [512, 128], strides = [1, 1]} : vector<513x128xf32> to vector<512x128xf32>
    %dot_general3A_575 = arith.constant dense<0.000000e+00> : vector<4x128xf32>
    %dot_general3A_576 = tpu.matmul %mul3A_568, %slice3A_574, %dot_general3A_575 {dimension_numbers = #tpu.dot_dimension_numbers<[1], [0], [0], [1], [0, 0, 1, 1], [], []>, transpose_lhs_hint = false} : vector<4x512xf32>, vector<512x128xf32>, vector<4x128xf32> -> vector<4x128xf32>
    %slice3A_577 = vector.extract_strided_slice %get3A_573 {offsets = [512, 0], sizes = [1, 128], strides = [1, 1]} : vector<513x128xf32> to vector<1x128xf32>
    %add3A_578 = vector.broadcast %slice3A_577 : vector<1x128xf32> to vector<4x128xf32>
    %add3A_579 = arith.addf %dot_general3A_576, %add3A_578 : vector<4x128xf32>
    %get3A_580 = arith.constant 0 : index
    %get3A_581 = arith.constant 10 : index
    %get3A_582 = arith.constant 0 : index
    %get3A_583 = vector.load %arg2[%get3A_580, %get3A_581, %get3A_582] : memref<4x16x16xf32, #tpu.memory_space<vmem>>, vector<4x1x16xf32>
    %get3A_584 = vector.shape_cast %get3A_583 : vector<4x1x16xf32> to vector<4x16xf32>
    %broadcast_in_dim3A_585 = vector.shape_cast %get3A_584 : vector<4x16xf32> to vector<4x16x1xf32>
    %broadcast_in_dim3A_586 = vector.shape_cast %add3A_579 : vector<4x128xf32> to vector<4x1x128xf32>
    %mul3A_587 = vector.broadcast %broadcast_in_dim3A_585 : vector<4x16x1xf32> to vector<4x16x128xf32>
    %mul3A_588 = vector.broadcast %broadcast_in_dim3A_586 : vector<4x1x128xf32> to vector<4x16x128xf32>
    %mul3A_589 = arith.mulf %mul3A_587, %mul3A_588 : vector<4x16x128xf32>
    %swap3A_590 = arith.constant 0 : index
    %swap3A_591 = arith.constant 10 : index
    %swap3A_592 = arith.constant 0 : index
    %swap3A_593 = arith.constant 0 : index
    %swap3A_594 = vector.load %arg5[%swap3A_590, %swap3A_591, %swap3A_592, %swap3A_593] : memref<4x16x16x128xf32, #tpu.memory_space<vmem>>, vector<4x1x16x128xf32>
    %swap3A_595 = vector.shape_cast %swap3A_594 : vector<4x1x16x128xf32> to vector<4x16x128xf32>
    %swap3A_596 = vector.shape_cast %mul3A_589 : vector<4x16x128xf32> to vector<4x1x16x128xf32>
    tpu.vector_store %arg5[%swap3A_590, %swap3A_591, %swap3A_592, %swap3A_593], %swap3A_596 {strides = array<i32>} : memref<4x16x16x128xf32, #tpu.memory_space<vmem>>, vector<4x1x16x128xf32>,
    %get3A_597 = arith.constant 0 : index
    %get3A_598 = arith.constant 11 : index
    %get3A_599 = arith.constant 0 : index
    %get3A_600 = vector.load %arg1[%get3A_597, %get3A_598, %get3A_599] : memref<4x16x128xf32, #tpu.memory_space<vmem>>, vector<4x1x128xf32>
    %get3A_601 = vector.shape_cast %get3A_600 : vector<4x1x128xf32> to vector<4x128xf32>
    %get3A_602 = arith.constant 11 : index
    %get3A_603 = arith.constant 0 : index
    %get3A_604 = arith.constant 0 : index
    %get3A_605 = vector.load %arg3[%get3A_602, %get3A_603, %get3A_604] : memref<16x129x512xf32, #tpu.memory_space<vmem>>, vector<1x129x512xf32>
    %get3A_606 = vector.shape_cast %get3A_605 : vector<1x129x512xf32> to vector<129x512xf32>
    %slice3A_607 = vector.extract_strided_slice %get3A_606 {offsets = [0, 0], sizes = [128, 512], strides = [1, 1]} : vector<129x512xf32> to vector<128x512xf32>
    %dot_general3A_608 = arith.constant dense<0.000000e+00> : vector<4x512xf32>
    %dot_general3A_609 = tpu.matmul %get3A_601, %slice3A_607, %dot_general3A_608 {dimension_numbers = #tpu.dot_dimension_numbers<[1], [0], [0], [1], [0, 0, 1, 1], [], []>, transpose_lhs_hint = false} : vector<4x128xf32>, vector<128x512xf32>, vector<4x512xf32> -> vector<4x512xf32>
    %slice3A_610 = vector.extract_strided_slice %get3A_606 {offsets = [128, 0], sizes = [1, 512], strides = [1, 1]} : vector<129x512xf32> to vector<1x512xf32>
    %add3A_611 = vector.broadcast %slice3A_610 : vector<1x512xf32> to vector<4x512xf32>
    %add3A_612 = arith.addf %dot_general3A_609, %add3A_611 : vector<4x512xf32>
    %mul3A_613 = arith.constant 5.000000e-01 : f32
    %mul3A_614 = vector.broadcast %mul3A_613 : f32 to vector<4x512xf32>
    %mul3A_615 = arith.mulf %mul3A_614, %add3A_612 : vector<4x512xf32>
    %mul3A_616 = arith.constant 0.707106769 : f32
    %mul3A_617 = vector.broadcast %mul3A_616 : f32 to vector<4x512xf32>
    %mul3A_618 = arith.mulf %add3A_612, %mul3A_617 : vector<4x512xf32>
    %erf3A_619 = math.erf %mul3A_618 : vector<4x512xf32>
    %add3A_620 = arith.constant 1.000000e+00 : f32
    %add3A_621 = vector.broadcast %add3A_620 : f32 to vector<4x512xf32>
    %add3A_622 = arith.addf %add3A_621, %erf3A_619 : vector<4x512xf32>
    %mul3A_623 = arith.mulf %mul3A_615, %add3A_622 : vector<4x512xf32>
    %get3A_624 = arith.constant 11 : index
    %get3A_625 = arith.constant 0 : index
    %get3A_626 = arith.constant 0 : index
    %get3A_627 = vector.load %arg4[%get3A_624, %get3A_625, %get3A_626] : memref<16x513x128xf32, #tpu.memory_space<vmem>>, vector<1x513x128xf32>
    %get3A_628 = vector.shape_cast %get3A_627 : vector<1x513x128xf32> to vector<513x128xf32>
    %slice3A_629 = vector.extract_strided_slice %get3A_628 {offsets = [0, 0], sizes = [512, 128], strides = [1, 1]} : vector<513x128xf32> to vector<512x128xf32>
    %dot_general3A_630 = arith.constant dense<0.000000e+00> : vector<4x128xf32>
    %dot_general3A_631 = tpu.matmul %mul3A_623, %slice3A_629, %dot_general3A_630 {dimension_numbers = #tpu.dot_dimension_numbers<[1], [0], [0], [1], [0, 0, 1, 1], [], []>, transpose_lhs_hint = false} : vector<4x512xf32>, vector<512x128xf32>, vector<4x128xf32> -> vector<4x128xf32>
    %slice3A_632 = vector.extract_strided_slice %get3A_628 {offsets = [512, 0], sizes = [1, 128], strides = [1, 1]} : vector<513x128xf32> to vector<1x128xf32>
    %add3A_633 = vector.broadcast %slice3A_632 : vector<1x128xf32> to vector<4x128xf32>
    %add3A_634 = arith.addf %dot_general3A_631, %add3A_633 : vector<4x128xf32>
    %get3A_635 = arith.constant 0 : index
    %get3A_636 = arith.constant 11 : index
    %get3A_637 = arith.constant 0 : index
    %get3A_638 = vector.load %arg2[%get3A_635, %get3A_636, %get3A_637] : memref<4x16x16xf32, #tpu.memory_space<vmem>>, vector<4x1x16xf32>
    %get3A_639 = vector.shape_cast %get3A_638 : vector<4x1x16xf32> to vector<4x16xf32>
    %broadcast_in_dim3A_640 = vector.shape_cast %get3A_639 : vector<4x16xf32> to vector<4x16x1xf32>
    %broadcast_in_dim3A_641 = vector.shape_cast %add3A_634 : vector<4x128xf32> to vector<4x1x128xf32>
    %mul3A_642 = vector.broadcast %broadcast_in_dim3A_640 : vector<4x16x1xf32> to vector<4x16x128xf32>
    %mul3A_643 = vector.broadcast %broadcast_in_dim3A_641 : vector<4x1x128xf32> to vector<4x16x128xf32>
    %mul3A_644 = arith.mulf %mul3A_642, %mul3A_643 : vector<4x16x128xf32>
    %swap3A_645 = arith.constant 0 : index
    %swap3A_646 = arith.constant 11 : index
    %swap3A_647 = arith.constant 0 : index
    %swap3A_648 = arith.constant 0 : index
    %swap3A_649 = vector.load %arg5[%swap3A_645, %swap3A_646, %swap3A_647, %swap3A_648] : memref<4x16x16x128xf32, #tpu.memory_space<vmem>>, vector<4x1x16x128xf32>
    %swap3A_650 = vector.shape_cast %swap3A_649 : vector<4x1x16x128xf32> to vector<4x16x128xf32>
    %swap3A_651 = vector.shape_cast %mul3A_644 : vector<4x16x128xf32> to vector<4x1x16x128xf32>
    tpu.vector_store %arg5[%swap3A_645, %swap3A_646, %swap3A_647, %swap3A_648], %swap3A_651 {strides = array<i32>} : memref<4x16x16x128xf32, #tpu.memory_space<vmem>>, vector<4x1x16x128xf32>,
    %get3A_652 = arith.constant 0 : index
    %get3A_653 = arith.constant 12 : index
    %get3A_654 = arith.constant 0 : index
    %get3A_655 = vector.load %arg1[%get3A_652, %get3A_653, %get3A_654] : memref<4x16x128xf32, #tpu.memory_space<vmem>>, vector<4x1x128xf32>
    %get3A_656 = vector.shape_cast %get3A_655 : vector<4x1x128xf32> to vector<4x128xf32>
    %get3A_657 = arith.constant 12 : index
    %get3A_658 = arith.constant 0 : index
    %get3A_659 = arith.constant 0 : index
    %get3A_660 = vector.load %arg3[%get3A_657, %get3A_658, %get3A_659] : memref<16x129x512xf32, #tpu.memory_space<vmem>>, vector<1x129x512xf32>
    %get3A_661 = vector.shape_cast %get3A_660 : vector<1x129x512xf32> to vector<129x512xf32>
    %slice3A_662 = vector.extract_strided_slice %get3A_661 {offsets = [0, 0], sizes = [128, 512], strides = [1, 1]} : vector<129x512xf32> to vector<128x512xf32>
    %dot_general3A_663 = arith.constant dense<0.000000e+00> : vector<4x512xf32>
    %dot_general3A_664 = tpu.matmul %get3A_656, %slice3A_662, %dot_general3A_663 {dimension_numbers = #tpu.dot_dimension_numbers<[1], [0], [0], [1], [0, 0, 1, 1], [], []>, transpose_lhs_hint = false} : vector<4x128xf32>, vector<128x512xf32>, vector<4x512xf32> -> vector<4x512xf32>
    %slice3A_665 = vector.extract_strided_slice %get3A_661 {offsets = [128, 0], sizes = [1, 512], strides = [1, 1]} : vector<129x512xf32> to vector<1x512xf32>
    %add3A_666 = vector.broadcast %slice3A_665 : vector<1x512xf32> to vector<4x512xf32>
    %add3A_667 = arith.addf %dot_general3A_664, %add3A_666 : vector<4x512xf32>
    %mul3A_668 = arith.constant 5.000000e-01 : f32
    %mul3A_669 = vector.broadcast %mul3A_668 : f32 to vector<4x512xf32>
    %mul3A_670 = arith.mulf %mul3A_669, %add3A_667 : vector<4x512xf32>
    %mul3A_671 = arith.constant 0.707106769 : f32
    %mul3A_672 = vector.broadcast %mul3A_671 : f32 to vector<4x512xf32>
    %mul3A_673 = arith.mulf %add3A_667, %mul3A_672 : vector<4x512xf32>
    %erf3A_674 = math.erf %mul3A_673 : vector<4x512xf32>
    %add3A_675 = arith.constant 1.000000e+00 : f32
    %add3A_676 = vector.broadcast %add3A_675 : f32 to vector<4x512xf32>
    %add3A_677 = arith.addf %add3A_676, %erf3A_674 : vector<4x512xf32>
    %mul3A_678 = arith.mulf %mul3A_670, %add3A_677 : vector<4x512xf32>
    %get3A_679 = arith.constant 12 : index
    %get3A_680 = arith.constant 0 : index
    %get3A_681 = arith.constant 0 : index
    %get3A_682 = vector.load %arg4[%get3A_679, %get3A_680, %get3A_681] : memref<16x513x128xf32, #tpu.memory_space<vmem>>, vector<1x513x128xf32>
    %get3A_683 = vector.shape_cast %get3A_682 : vector<1x513x128xf32> to vector<513x128xf32>
    %slice3A_684 = vector.extract_strided_slice %get3A_683 {offsets = [0, 0], sizes = [512, 128], strides = [1, 1]} : vector<513x128xf32> to vector<512x128xf32>
    %dot_general3A_685 = arith.constant dense<0.000000e+00> : vector<4x128xf32>
    %dot_general3A_686 = tpu.matmul %mul3A_678, %slice3A_684, %dot_general3A_685 {dimension_numbers = #tpu.dot_dimension_numbers<[1], [0], [0], [1], [0, 0, 1, 1], [], []>, transpose_lhs_hint = false} : vector<4x512xf32>, vector<512x128xf32>, vector<4x128xf32> -> vector<4x128xf32>
    %slice3A_687 = vector.extract_strided_slice %get3A_683 {offsets = [512, 0], sizes = [1, 128], strides = [1, 1]} : vector<513x128xf32> to vector<1x128xf32>
    %add3A_688 = vector.broadcast %slice3A_687 : vector<1x128xf32> to vector<4x128xf32>
    %add3A_689 = arith.addf %dot_general3A_686, %add3A_688 : vector<4x128xf32>
    %get3A_690 = arith.constant 0 : index
    %get3A_691 = arith.constant 12 : index
    %get3A_692 = arith.constant 0 : index
    %get3A_693 = vector.load %arg2[%get3A_690, %get3A_691, %get3A_692] : memref<4x16x16xf32, #tpu.memory_space<vmem>>, vector<4x1x16xf32>
    %get3A_694 = vector.shape_cast %get3A_693 : vector<4x1x16xf32> to vector<4x16xf32>
    %broadcast_in_dim3A_695 = vector.shape_cast %get3A_694 : vector<4x16xf32> to vector<4x16x1xf32>
    %broadcast_in_dim3A_696 = vector.shape_cast %add3A_689 : vector<4x128xf32> to vector<4x1x128xf32>
    %mul3A_697 = vector.broadcast %broadcast_in_dim3A_695 : vector<4x16x1xf32> to vector<4x16x128xf32>
    %mul3A_698 = vector.broadcast %broadcast_in_dim3A_696 : vector<4x1x128xf32> to vector<4x16x128xf32>
    %mul3A_699 = arith.mulf %mul3A_697, %mul3A_698 : vector<4x16x128xf32>
    %swap3A_700 = arith.constant 0 : index
    %swap3A_701 = arith.constant 12 : index
    %swap3A_702 = arith.constant 0 : index
    %swap3A_703 = arith.constant 0 : index
    %swap3A_704 = vector.load %arg5[%swap3A_700, %swap3A_701, %swap3A_702, %swap3A_703] : memref<4x16x16x128xf32, #tpu.memory_space<vmem>>, vector<4x1x16x128xf32>
    %swap3A_705 = vector.shape_cast %swap3A_704 : vector<4x1x16x128xf32> to vector<4x16x128xf32>
    %swap3A_706 = vector.shape_cast %mul3A_699 : vector<4x16x128xf32> to vector<4x1x16x128xf32>
    tpu.vector_store %arg5[%swap3A_700, %swap3A_701, %swap3A_702, %swap3A_703], %swap3A_706 {strides = array<i32>} : memref<4x16x16x128xf32, #tpu.memory_space<vmem>>, vector<4x1x16x128xf32>,
    %get3A_707 = arith.constant 0 : index
    %get3A_708 = arith.constant 13 : index
    %get3A_709 = arith.constant 0 : index
    %get3A_710 = vector.load %arg1[%get3A_707, %get3A_708, %get3A_709] : memref<4x16x128xf32, #tpu.memory_space<vmem>>, vector<4x1x128xf32>
    %get3A_711 = vector.shape_cast %get3A_710 : vector<4x1x128xf32> to vector<4x128xf32>
    %get3A_712 = arith.constant 13 : index
    %get3A_713 = arith.constant 0 : index
    %get3A_714 = arith.constant 0 : index
    %get3A_715 = vector.load %arg3[%get3A_712, %get3A_713, %get3A_714] : memref<16x129x512xf32, #tpu.memory_space<vmem>>, vector<1x129x512xf32>
    %get3A_716 = vector.shape_cast %get3A_715 : vector<1x129x512xf32> to vector<129x512xf32>
    %slice3A_717 = vector.extract_strided_slice %get3A_716 {offsets = [0, 0], sizes = [128, 512], strides = [1, 1]} : vector<129x512xf32> to vector<128x512xf32>
    %dot_general3A_718 = arith.constant dense<0.000000e+00> : vector<4x512xf32>
    %dot_general3A_719 = tpu.matmul %get3A_711, %slice3A_717, %dot_general3A_718 {dimension_numbers = #tpu.dot_dimension_numbers<[1], [0], [0], [1], [0, 0, 1, 1], [], []>, transpose_lhs_hint = false} : vector<4x128xf32>, vector<128x512xf32>, vector<4x512xf32> -> vector<4x512xf32>
    %slice3A_720 = vector.extract_strided_slice %get3A_716 {offsets = [128, 0], sizes = [1, 512], strides = [1, 1]} : vector<129x512xf32> to vector<1x512xf32>
    %add3A_721 = vector.broadcast %slice3A_720 : vector<1x512xf32> to vector<4x512xf32>
    %add3A_722 = arith.addf %dot_general3A_719, %add3A_721 : vector<4x512xf32>
    %mul3A_723 = arith.constant 5.000000e-01 : f32
    %mul3A_724 = vector.broadcast %mul3A_723 : f32 to vector<4x512xf32>
    %mul3A_725 = arith.mulf %mul3A_724, %add3A_722 : vector<4x512xf32>
    %mul3A_726 = arith.constant 0.707106769 : f32
    %mul3A_727 = vector.broadcast %mul3A_726 : f32 to vector<4x512xf32>
    %mul3A_728 = arith.mulf %add3A_722, %mul3A_727 : vector<4x512xf32>
    %erf3A_729 = math.erf %mul3A_728 : vector<4x512xf32>
    %add3A_730 = arith.constant 1.000000e+00 : f32
    %add3A_731 = vector.broadcast %add3A_730 : f32 to vector<4x512xf32>
    %add3A_732 = arith.addf %add3A_731, %erf3A_729 : vector<4x512xf32>
    %mul3A_733 = arith.mulf %mul3A_725, %add3A_732 : vector<4x512xf32>
    %get3A_734 = arith.constant 13 : index
    %get3A_735 = arith.constant 0 : index
    %get3A_736 = arith.constant 0 : index
    %get3A_737 = vector.load %arg4[%get3A_734, %get3A_735, %get3A_736] : memref<16x513x128xf32, #tpu.memory_space<vmem>>, vector<1x513x128xf32>
    %get3A_738 = vector.shape_cast %get3A_737 : vector<1x513x128xf32> to vector<513x128xf32>
    %slice3A_739 = vector.extract_strided_slice %get3A_738 {offsets = [0, 0], sizes = [512, 128], strides = [1, 1]} : vector<513x128xf32> to vector<512x128xf32>
    %dot_general3A_740 = arith.constant dense<0.000000e+00> : vector<4x128xf32>
    %dot_general3A_741 = tpu.matmul %mul3A_733, %slice3A_739, %dot_general3A_740 {dimension_numbers = #tpu.dot_dimension_numbers<[1], [0], [0], [1], [0, 0, 1, 1], [], []>, transpose_lhs_hint = false} : vector<4x512xf32>, vector<512x128xf32>, vector<4x128xf32> -> vector<4x128xf32>
    %slice3A_742 = vector.extract_strided_slice %get3A_738 {offsets = [512, 0], sizes = [1, 128], strides = [1, 1]} : vector<513x128xf32> to vector<1x128xf32>
    %add3A_743 = vector.broadcast %slice3A_742 : vector<1x128xf32> to vector<4x128xf32>
    %add3A_744 = arith.addf %dot_general3A_741, %add3A_743 : vector<4x128xf32>
    %get3A_745 = arith.constant 0 : index
    %get3A_746 = arith.constant 13 : index
    %get3A_747 = arith.constant 0 : index
    %get3A_748 = vector.load %arg2[%get3A_745, %get3A_746, %get3A_747] : memref<4x16x16xf32, #tpu.memory_space<vmem>>, vector<4x1x16xf32>
    %get3A_749 = vector.shape_cast %get3A_748 : vector<4x1x16xf32> to vector<4x16xf32>
    %broadcast_in_dim3A_750 = vector.shape_cast %get3A_749 : vector<4x16xf32> to vector<4x16x1xf32>
    %broadcast_in_dim3A_751 = vector.shape_cast %add3A_744 : vector<4x128xf32> to vector<4x1x128xf32>
    %mul3A_752 = vector.broadcast %broadcast_in_dim3A_750 : vector<4x16x1xf32> to vector<4x16x128xf32>
    %mul3A_753 = vector.broadcast %broadcast_in_dim3A_751 : vector<4x1x128xf32> to vector<4x16x128xf32>
    %mul3A_754 = arith.mulf %mul3A_752, %mul3A_753 : vector<4x16x128xf32>
    %swap3A_755 = arith.constant 0 : index
    %swap3A_756 = arith.constant 13 : index
    %swap3A_757 = arith.constant 0 : index
    %swap3A_758 = arith.constant 0 : index
    %swap3A_759 = vector.load %arg5[%swap3A_755, %swap3A_756, %swap3A_757, %swap3A_758] : memref<4x16x16x128xf32, #tpu.memory_space<vmem>>, vector<4x1x16x128xf32>
    %swap3A_760 = vector.shape_cast %swap3A_759 : vector<4x1x16x128xf32> to vector<4x16x128xf32>
    %swap3A_761 = vector.shape_cast %mul3A_754 : vector<4x16x128xf32> to vector<4x1x16x128xf32>
    tpu.vector_store %arg5[%swap3A_755, %swap3A_756, %swap3A_757, %swap3A_758], %swap3A_761 {strides = array<i32>} : memref<4x16x16x128xf32, #tpu.memory_space<vmem>>, vector<4x1x16x128xf32>,
    %get3A_762 = arith.constant 0 : index
    %get3A_763 = arith.constant 14 : index
    %get3A_764 = arith.constant 0 : index
    %get3A_765 = vector.load %arg1[%get3A_762, %get3A_763, %get3A_764] : memref<4x16x128xf32, #tpu.memory_space<vmem>>, vector<4x1x128xf32>
    %get3A_766 = vector.shape_cast %get3A_765 : vector<4x1x128xf32> to vector<4x128xf32>
    %get3A_767 = arith.constant 14 : index
    %get3A_768 = arith.constant 0 : index
    %get3A_769 = arith.constant 0 : index
    %get3A_770 = vector.load %arg3[%get3A_767, %get3A_768, %get3A_769] : memref<16x129x512xf32, #tpu.memory_space<vmem>>, vector<1x129x512xf32>
    %get3A_771 = vector.shape_cast %get3A_770 : vector<1x129x512xf32> to vector<129x512xf32>
    %slice3A_772 = vector.extract_strided_slice %get3A_771 {offsets = [0, 0], sizes = [128, 512], strides = [1, 1]} : vector<129x512xf32> to vector<128x512xf32>
    %dot_general3A_773 = arith.constant dense<0.000000e+00> : vector<4x512xf32>
    %dot_general3A_774 = tpu.matmul %get3A_766, %slice3A_772, %dot_general3A_773 {dimension_numbers = #tpu.dot_dimension_numbers<[1], [0], [0], [1], [0, 0, 1, 1], [], []>, transpose_lhs_hint = false} : vector<4x128xf32>, vector<128x512xf32>, vector<4x512xf32> -> vector<4x512xf32>
    %slice3A_775 = vector.extract_strided_slice %get3A_771 {offsets = [128, 0], sizes = [1, 512], strides = [1, 1]} : vector<129x512xf32> to vector<1x512xf32>
    %add3A_776 = vector.broadcast %slice3A_775 : vector<1x512xf32> to vector<4x512xf32>
    %add3A_777 = arith.addf %dot_general3A_774, %add3A_776 : vector<4x512xf32>
    %mul3A_778 = arith.constant 5.000000e-01 : f32
    %mul3A_779 = vector.broadcast %mul3A_778 : f32 to vector<4x512xf32>
    %mul3A_780 = arith.mulf %mul3A_779, %add3A_777 : vector<4x512xf32>
    %mul3A_781 = arith.constant 0.707106769 : f32
    %mul3A_782 = vector.broadcast %mul3A_781 : f32 to vector<4x512xf32>
    %mul3A_783 = arith.mulf %add3A_777, %mul3A_782 : vector<4x512xf32>
    %erf3A_784 = math.erf %mul3A_783 : vector<4x512xf32>
    %add3A_785 = arith.constant 1.000000e+00 : f32
    %add3A_786 = vector.broadcast %add3A_785 : f32 to vector<4x512xf32>
    %add3A_787 = arith.addf %add3A_786, %erf3A_784 : vector<4x512xf32>
    %mul3A_788 = arith.mulf %mul3A_780, %add3A_787 : vector<4x512xf32>
    %get3A_789 = arith.constant 14 : index
    %get3A_790 = arith.constant 0 : index
    %get3A_791 = arith.constant 0 : index
    %get3A_792 = vector.load %arg4[%get3A_789, %get3A_790, %get3A_791] : memref<16x513x128xf32, #tpu.memory_space<vmem>>, vector<1x513x128xf32>
    %get3A_793 = vector.shape_cast %get3A_792 : vector<1x513x128xf32> to vector<513x128xf32>
    %slice3A_794 = vector.extract_strided_slice %get3A_793 {offsets = [0, 0], sizes = [512, 128], strides = [1, 1]} : vector<513x128xf32> to vector<512x128xf32>
    %dot_general3A_795 = arith.constant dense<0.000000e+00> : vector<4x128xf32>
    %dot_general3A_796 = tpu.matmul %mul3A_788, %slice3A_794, %dot_general3A_795 {dimension_numbers = #tpu.dot_dimension_numbers<[1], [0], [0], [1], [0, 0, 1, 1], [], []>, transpose_lhs_hint = false} : vector<4x512xf32>, vector<512x128xf32>, vector<4x128xf32> -> vector<4x128xf32>
    %slice3A_797 = vector.extract_strided_slice %get3A_793 {offsets = [512, 0], sizes = [1, 128], strides = [1, 1]} : vector<513x128xf32> to vector<1x128xf32>
    %add3A_798 = vector.broadcast %slice3A_797 : vector<1x128xf32> to vector<4x128xf32>
    %add3A_799 = arith.addf %dot_general3A_796, %add3A_798 : vector<4x128xf32>
    %get3A_800 = arith.constant 0 : index
    %get3A_801 = arith.constant 14 : index
    %get3A_802 = arith.constant 0 : index
    %get3A_803 = vector.load %arg2[%get3A_800, %get3A_801, %get3A_802] : memref<4x16x16xf32, #tpu.memory_space<vmem>>, vector<4x1x16xf32>
    %get3A_804 = vector.shape_cast %get3A_803 : vector<4x1x16xf32> to vector<4x16xf32>
    %broadcast_in_dim3A_805 = vector.shape_cast %get3A_804 : vector<4x16xf32> to vector<4x16x1xf32>
    %broadcast_in_dim3A_806 = vector.shape_cast %add3A_799 : vector<4x128xf32> to vector<4x1x128xf32>
    %mul3A_807 = vector.broadcast %broadcast_in_dim3A_805 : vector<4x16x1xf32> to vector<4x16x128xf32>
    %mul3A_808 = vector.broadcast %broadcast_in_dim3A_806 : vector<4x1x128xf32> to vector<4x16x128xf32>
    %mul3A_809 = arith.mulf %mul3A_807, %mul3A_808 : vector<4x16x128xf32>
    %swap3A_810 = arith.constant 0 : index
    %swap3A_811 = arith.constant 14 : index
    %swap3A_812 = arith.constant 0 : index
    %swap3A_813 = arith.constant 0 : index
    %swap3A_814 = vector.load %arg5[%swap3A_810, %swap3A_811, %swap3A_812, %swap3A_813] : memref<4x16x16x128xf32, #tpu.memory_space<vmem>>, vector<4x1x16x128xf32>
    %swap3A_815 = vector.shape_cast %swap3A_814 : vector<4x1x16x128xf32> to vector<4x16x128xf32>
    %swap3A_816 = vector.shape_cast %mul3A_809 : vector<4x16x128xf32> to vector<4x1x16x128xf32>
    tpu.vector_store %arg5[%swap3A_810, %swap3A_811, %swap3A_812, %swap3A_813], %swap3A_816 {strides = array<i32>} : memref<4x16x16x128xf32, #tpu.memory_space<vmem>>, vector<4x1x16x128xf32>,
    %get3A_817 = arith.constant 0 : index
    %get3A_818 = arith.constant 15 : index
    %get3A_819 = arith.constant 0 : index
    %get3A_820 = vector.load %arg1[%get3A_817, %get3A_818, %get3A_819] : memref<4x16x128xf32, #tpu.memory_space<vmem>>, vector<4x1x128xf32>
    %get3A_821 = vector.shape_cast %get3A_820 : vector<4x1x128xf32> to vector<4x128xf32>
    %get3A_822 = arith.constant 15 : index
    %get3A_823 = arith.constant 0 : index
    %get3A_824 = arith.constant 0 : index
    %get3A_825 = vector.load %arg3[%get3A_822, %get3A_823, %get3A_824] : memref<16x129x512xf32, #tpu.memory_space<vmem>>, vector<1x129x512xf32>
    %get3A_826 = vector.shape_cast %get3A_825 : vector<1x129x512xf32> to vector<129x512xf32>
    %slice3A_827 = vector.extract_strided_slice %get3A_826 {offsets = [0, 0], sizes = [128, 512], strides = [1, 1]} : vector<129x512xf32> to vector<128x512xf32>
    %dot_general3A_828 = arith.constant dense<0.000000e+00> : vector<4x512xf32>
    %dot_general3A_829 = tpu.matmul %get3A_821, %slice3A_827, %dot_general3A_828 {dimension_numbers = #tpu.dot_dimension_numbers<[1], [0], [0], [1], [0, 0, 1, 1], [], []>, transpose_lhs_hint = false} : vector<4x128xf32>, vector<128x512xf32>, vector<4x512xf32> -> vector<4x512xf32>
    %slice3A_830 = vector.extract_strided_slice %get3A_826 {offsets = [128, 0], sizes = [1, 512], strides = [1, 1]} : vector<129x512xf32> to vector<1x512xf32>
    %add3A_831 = vector.broadcast %slice3A_830 : vector<1x512xf32> to vector<4x512xf32>
    %add3A_832 = arith.addf %dot_general3A_829, %add3A_831 : vector<4x512xf32>
    %mul3A_833 = arith.constant 5.000000e-01 : f32
    %mul3A_834 = vector.broadcast %mul3A_833 : f32 to vector<4x512xf32>
    %mul3A_835 = arith.mulf %mul3A_834, %add3A_832 : vector<4x512xf32>
    %mul3A_836 = arith.constant 0.707106769 : f32
    %mul3A_837 = vector.broadcast %mul3A_836 : f32 to vector<4x512xf32>
    %mul3A_838 = arith.mulf %add3A_832, %mul3A_837 : vector<4x512xf32>
    %erf3A_839 = math.erf %mul3A_838 : vector<4x512xf32>
    %add3A_840 = arith.constant 1.000000e+00 : f32
    %add3A_841 = vector.broadcast %add3A_840 : f32 to vector<4x512xf32>
    %add3A_842 = arith.addf %add3A_841, %erf3A_839 : vector<4x512xf32>
    %mul3A_843 = arith.mulf %mul3A_835, %add3A_842 : vector<4x512xf32>
    %get3A_844 = arith.constant 15 : index
    %get3A_845 = arith.constant 0 : index
    %get3A_846 = arith.constant 0 : index
    %get3A_847 = vector.load %arg4[%get3A_844, %get3A_845, %get3A_846] : memref<16x513x128xf32, #tpu.memory_space<vmem>>, vector<1x513x128xf32>
    %get3A_848 = vector.shape_cast %get3A_847 : vector<1x513x128xf32> to vector<513x128xf32>
    %slice3A_849 = vector.extract_strided_slice %get3A_848 {offsets = [0, 0], sizes = [512, 128], strides = [1, 1]} : vector<513x128xf32> to vector<512x128xf32>
    %dot_general3A_850 = arith.constant dense<0.000000e+00> : vector<4x128xf32>
    %dot_general3A_851 = tpu.matmul %mul3A_843, %slice3A_849, %dot_general3A_850 {dimension_numbers = #tpu.dot_dimension_numbers<[1], [0], [0], [1], [0, 0, 1, 1], [], []>, transpose_lhs_hint = false} : vector<4x512xf32>, vector<512x128xf32>, vector<4x128xf32> -> vector<4x128xf32>
    %slice3A_852 = vector.extract_strided_slice %get3A_848 {offsets = [512, 0], sizes = [1, 128], strides = [1, 1]} : vector<513x128xf32> to vector<1x128xf32>
    %add3A_853 = vector.broadcast %slice3A_852 : vector<1x128xf32> to vector<4x128xf32>
    %add3A_854 = arith.addf %dot_general3A_851, %add3A_853 : vector<4x128xf32>
    %get3A_855 = arith.constant 0 : index
    %get3A_856 = arith.constant 15 : index
    %get3A_857 = arith.constant 0 : index
    %get3A_858 = vector.load %arg2[%get3A_855, %get3A_856, %get3A_857] : memref<4x16x16xf32, #tpu.memory_space<vmem>>, vector<4x1x16xf32>
    %get3A_859 = vector.shape_cast %get3A_858 : vector<4x1x16xf32> to vector<4x16xf32>
    %broadcast_in_dim3A_860 = vector.shape_cast %get3A_859 : vector<4x16xf32> to vector<4x16x1xf32>
    %broadcast_in_dim3A_861 = vector.shape_cast %add3A_854 : vector<4x128xf32> to vector<4x1x128xf32>
    %mul3A_862 = vector.broadcast %broadcast_in_dim3A_860 : vector<4x16x1xf32> to vector<4x16x128xf32>
    %mul3A_863 = vector.broadcast %broadcast_in_dim3A_861 : vector<4x1x128xf32> to vector<4x16x128xf32>
    %mul3A_864 = arith.mulf %mul3A_862, %mul3A_863 : vector<4x16x128xf32>
    %swap3A_865 = arith.constant 0 : index
    %swap3A_866 = arith.constant 15 : index
    %swap3A_867 = arith.constant 0 : index
    %swap3A_868 = arith.constant 0 : index
    %swap3A_869 = vector.load %arg5[%swap3A_865, %swap3A_866, %swap3A_867, %swap3A_868] : memref<4x16x16x128xf32, #tpu.memory_space<vmem>>, vector<4x1x16x128xf32>
    %swap3A_870 = vector.shape_cast %swap3A_869 : vector<4x1x16x128xf32> to vector<4x16x128xf32>
    %swap3A_871 = vector.shape_cast %mul3A_864 : vector<4x16x128xf32> to vector<4x1x16x128xf32>
    tpu.vector_store %arg5[%swap3A_865, %swap3A_866, %swap3A_867, %swap3A_868], %swap3A_871 {strides = array<i32>} : memref<4x16x16x128xf32, #tpu.memory_space<vmem>>, vector<4x1x16x128xf32>,
    return
  }
  func.func @transform_0(%arg0: i32) -> (i32, i32, i32) {
    %c0_i32 = arith.constant 0 : i32
    %c0_i32_0 = arith.constant 0 : i32
    %c0_i32_1 = arith.constant 0 : i32
    return %c0_i32, %arg0, %c0_i32_0 : i32, i32, i32
  }
  func.func @transform_1(%arg0: i32) -> (i32, i32, i32) {
    %c0_i32 = arith.constant 0 : i32
    %c0_i32_0 = arith.constant 0 : i32
    %c0_i32_1 = arith.constant 0 : i32
    return %c0_i32, %arg0, %c0_i32_0 : i32, i32, i32
  }
  func.func @transform_2(%arg0: i32) -> (i32, i32, i32) {
    %c0_i32 = arith.constant 0 : i32
    %c0_i32_0 = arith.constant 0 : i32
    %c0_i32_1 = arith.constant 0 : i32
    return %arg0, %c0_i32, %c0_i32_0 : i32, i32, i32
  }
  func.func @transform_3(%arg0: i32) -> (i32, i32, i32) {
    %c0_i32 = arith.constant 0 : i32
    %c0_i32_0 = arith.constant 0 : i32
    %c0_i32_1 = arith.constant 0 : i32
    return %arg0, %c0_i32, %c0_i32_0 : i32, i32, i32
  }
  func.func @transform_4(%arg0: i32) -> (i32, i32, i32, i32) {
    %c0_i32 = arith.constant 0 : i32
    %c0_i32_0 = arith.constant 0 : i32
    %c0_i32_1 = arith.constant 0 : i32
    %c0_i32_2 = arith.constant 0 : i32
    return %c0_i32, %arg0, %c0_i32_0, %c0_i32_1 : i32, i32, i32, i32
  }
}

</mosaic_0001>

<sc_bundles>
// kernel: kernel.5.cloned.1.call-start
scs
__scs_entry_jumppad:
0x0: {  	(pc) =	sbr.rel $0x88, $3  }
0x1: {  	(tag) =	ssettag $0x0;
	lr =	simm.s32 $0x1  }
0x2: {  	[smem:$0x3F9C] =	sst lr;
	_ =	strace $0xD0000000  }
0x3: {  	_ = 	snop  }
0x4: {  	_ = 	snop  }
0x5: {  	_ = 	snop  }
0x6: {  	_ = 	snop  }
0x7: {  	_ = 	snop  }
__scs_overlays_trampoline_lowered:
0x8: {  	[smem:$0x3FAB] =	sst s0  }
0x9: {  	[smem:$0x3FAC] =	sst s1  }
0xa: {  	[smem:$0x3FAD] =	sst s2  }
0xb: {  	[smem:$0x3FAE] =	sst s3  }
0xc: {  	[smem:$0x3FAF] =	sst s4  }
0xd: {  	[smem:$0x3FB0] =	sst s5  }
0xe: {  	[smem:$0x3FB1] =	sst s6  }
0xf: {  	[smem:$0x3FB2] =	sst s7  }
0x10: {  	[smem:$0x3FB3] =	sst s8  }
0x11: {  	[smem:$0x3FB4] =	sst s9;
	s0 =	simm.s32 @!p0 $0x0  }
0x12: {  	s1 =	sld [smem:$0x3F9A];
	s0 =	simm.s32 @p0 $0x1  }
0x13: {  	[smem:$0x3FB5] =	sst s0;
	s0 =	simm.s32 @!p1 $0x0  }
0x14: {  	s2 =	sld [smem:$0x3F99];
	s0 =	simm.s32 @p1 $0x1  }
0x15: {  	[smem:$0x3FB6] =	sst s0;
	s0 =	simm.s32 @!p2 $0x0  }
0x16: {  	s3 =	sld [smem:$0x3FDB];
	s0 =	simm.s32 @p2 $0x1  }
0x17: {  	s4 =	simm.s32 $0x1BF5;
	[smem:$0x3FB8] =	sst s0  }
0x18: {  	s0 =	sld [smem:$0x3F9B];
	_ =	swait.ge [sflag:s4], $0x0  }
0x19: {  	s7 =	sld [smem:$0x3F9C]  }
0x1a: {  	s8 =	sadd.s32 $0xFFFFE003, lr  }
0x1b: {  	s9 =	sadd.s32 $0xFFFFFEF7, lr;
	s5 =	simm.s32 $0xFFFFFFFF;
	p2 =	slt.u32 s8, $0xFFFFF086  }
0x1c: {  	p1 =	slt.u32 s9, $0xF7A;
	s5 =	simm.s32 @!p2 $0x0  }
0x1d: {  	s5 =	simm.s32 @p1 $0x1;
	p0 =	seq.s32 s7, s2  }
0x1e: {  	s7 =	smul.u32 @!p0 $0xF7A, s2;
	p2 =	seq.s32 @!p0 s5, $0x0  }
0x1f: {  	s9 =	smul.u32 $0xF7A, s1;
	s8 =	simm.s32 @!p0 $0x1BF5;
	p2 =	por !p2, p0  }
0x20: {  	[sflag:s8] =	ssyncset.s32 @!p0 $0xFFFFF086;
	s6 =	sadd.s32 @!p0 s3, s7;
	s7 =	simm.s32 @!p0 $0x108  }
0x21: {  	s3 =	sadd.s32 s3, s9;
	s6 =	sadd.s32 @!p0 $0x88, s6;
	s7 =	simm.s32 @p2 $0x1082  }
0x22: {  	[simem:s7], [sflag:s8] =	dma.local @!p0 [hbm:s6], $0xF7A  }
0x23: {  	s9 =	sor.u32 $0xD0000000, s2;
	s6 =	simm.s32 $0x108;
	_ =	swait.ge @!p0 [sflag:s8], $0x0  }
0x24: {  	s3 =	sadd.s32 $0x88, s3;
	s6 =	simm.s32 @!p1 $0x1082;
	[sflag:s4] =	ssyncset.s32 $0xFFFFF086  }
0x25: {  	[simem:s6], [sflag:s4] =	dma.local [hbm:s3], $0xF7A  }
0x26: {  	[smem:$0x3F9C] =	sst s1;
	(tag) =	ssettag s2;
	_ =	strace s9  }
0x27: {  	s1 =	sld [smem:$0x3FAC]  }
0x28: {  	s2 =	sld [smem:$0x3FAD]  }
0x29: {  	s4 =	sld [smem:$0x3FAF]  }
0x2a: {  	p0 =	seq.s32 s5, $0x0;
	s5 =	sld [smem:$0x3FB0]  }
0x2b: {  	s6 =	sld [smem:$0x3FB1]  }
0x2c: {  	s7 =	sld [smem:$0x3FB2]  }
0x2d: {  	s3 =	simm.s32 $0x108;
	s8 =	sld [smem:$0x3FB3]  }
0x2e: {  	s3 =	simm.s32 @!p0 $0x1082;
	s9 =	sld [smem:$0x3FB4]  }
0x2f: {  	lr =	sadd.s32 s0, s3;
	s0 =	sld [smem:$0x3FAB]  }
0x30: {  	s3 =	sld [smem:$0x3FAE]  }
0x31: {  	[smem:$0x3FB7] =	sst s10  }
0x32: {  	s10 =	sld [smem:$0x3FB5];
	_ =	sdelay $0x3  }
0x33: {  	p0 =	seq.s32 s10, $0x1;
	s10 =	sld [smem:$0x3FB7];
	_ =	sdelay $0x3  }
0x34: {  	[smem:$0x3FB7] =	sst s10  }
0x35: {  	s10 =	sld [smem:$0x3FB6];
	_ =	sdelay $0x3  }
0x36: {  	p1 =	seq.s32 s10, $0x1;
	s10 =	sld [smem:$0x3FB7];
	_ =	sdelay $0x3  }
0x37: {  	[smem:$0x3FB7] =	sst s10  }
0x38: {  	s10 =	sld [smem:$0x3FB8]  }
0x39: {  	_ = 	snop;
	(pc) =	sbr.ind lr, $3  }
0x3a: {  	_ = 	snop  }
0x3b: {  	_ = 	snop  }
0x3c: {  	p2 =	seq.s32 s10, $0x1;
	s10 =	sld [smem:$0x3FB7]  }
0x3d: {  	_ =	shalt  }
0x3e: {  	_ =	shalt  }
0x3f: {  	_ =	shalt  }
0x40: {  	_ =	shalt  }
0x41: {  	_ =	shalt  }
0x42: {  	_ =	shalt  }
0x43: {  	_ =	shalt  }
0x44: {  	_ =	shalt  }
0x45: {  	_ =	shalt  }
0x46: {  	_ =	shalt  }
0x47: {  	_ =	shalt  }
0x48: {  	_ =	shalt  }
0x49: {  	_ =	shalt  }
0x4a: {  	_ =	shalt  }
0x4b: {  	_ =	shalt  }
0x4c: {  	_ =	shalt  }
0x4d: {  	_ =	shalt  }
0x4e: {  	_ =	shalt  }
0x4f: {  	_ =	shalt  }
0x50: {  	_ =	shalt  }
0x51: {  	_ =	shalt  }
0x52: {  	_ =	shalt  }
0x53: {  	_ =	shalt  }
0x54: {  	_ =	shalt  }
0x55: {  	_ =	shalt  }
0x56: {  	_ =	shalt  }
0x57: {  	_ =	shalt  }
0x58: {  	_ =	shalt  }
0x59: {  	_ =	shalt  }
0x5a: {  	_ =	shalt  }
0x5b: {  	_ =	shalt  }
0x5c: {  	_ =	shalt  }
0x5d: {  	_ =	shalt  }
0x5e: {  	_ =	shalt  }
0x5f: {  	_ =	shalt  }
0x60: {  	_ =	shalt  }
0x61: {  	_ =	shalt  }
0x62: {  	_ =	shalt  }
0x63: {  	_ =	shalt  }
0x64: {  	_ =	shalt  }
0x65: {  	_ =	shalt  }
0x66: {  	_ =	shalt  }
0x67: {  	_ =	shalt  }
0x68: {  	_ =	shalt  }
0x69: {  	_ =	shalt  }
0x6a: {  	_ =	shalt  }
0x6b: {  	_ =	shalt  }
0x6c: {  	_ =	shalt  }
0x6d: {  	_ =	shalt  }
0x6e: {  	_ =	shalt  }
0x6f: {  	_ =	shalt  }
0x70: {  	_ =	shalt  }
0x71: {  	_ =	shalt  }
0x72: {  	_ =	shalt  }
0x73: {  	_ =	shalt  }
0x74: {  	_ =	shalt  }
0x75: {  	_ =	shalt  }
0x76: {  	_ =	shalt  }
0x77: {  	_ =	shalt  }
0x78: {  	_ =	shalt  }
0x79: {  	_ =	shalt  }
0x7a: {  	_ =	shalt  }
0x7b: {  	_ =	shalt  }
0x7c: {  	_ =	shalt  }
0x7d: {  	_ =	shalt  }
0x7e: {  	_ =	shalt  }
0x7f: {  	_ =	shalt  }
0x80: {  	_ =	shalt  }
0x81: {  	_ =	shalt  }
0x82: {  	_ =	shalt  }
0x83: {  	_ =	shalt  }
0x84: {  	_ =	shalt  }
0x85: {  	_ =	shalt  }
0x86: {  	_ =	shalt  }
0x87: {  	_ =	shalt  }
.Lfunc_end0:
.L_simem_size_0:
called_computation_lowered:
.L_overlay_start_0:
0x88: {  	s2 =	sld [smem:$0x3FD9]  }
0x89: {  	s3 =	sld [smem:$0x3FFE];
	_ =	sdelay $0x1  }
0x8a: {  	s1 =	srdreg.scid  }
0x8b: {  	s0 =	sand.u32 $0x1, s1  }
0x8c: {  	s17 =	sshll.u32 s0, $0xA;
	s2 =	sadd.s32 s3, s2  }
0x8d: {  	s2 =	sadd.s32 s2, s17  }
0x8e: {  	[smem:$0x3FC3] =	sst s2  }
0x8f: {  	_ = 	snop  }
0x90: {  	s2 =	sld [smem:$0x3FD0];
	(tm) =	ssettm $0x1  }
0x91: {  	s18 =	sld [smem:$0x3FFB];
	_ =	sdelay $0x3  }
0x92: {  	_ =	strace s18  }
0x93: {  	s3 =	sld [smem:$0x3FFC];
	_ =	sdelay $0x3  }
0x94: {  	_ =	strace s3  }
0x95: {  	s3 =	sld [smem:$0x3FFD];
	_ =	sdelay $0x3  }
0x96: {  	_ =	strace s3  }
0x97: {  	_ =	strace $0x8FFFFFFF  }
0x98: {  	s19 =	sld [smem:$0x3FDB];
	_ =	sdelay $0x1  }
0x99: {  	s4 =	simm.s32 $_scs_section_size  }
0x9a: {  	s5 =	simm.s32 $_size__tile_overlayer_lowered;
	s6 =	simm.s32 $_tile_overlayer_lowered  }
0x9b: {  	s22 =	simm.s32 $0x1BFF;
	s21 =	sshll.u32 s6, $0x1;
	s3 =	sadd.s32 s4, s19  }
0x9c: {  	s7 =	simm.s32 $0x0;
	s20 =	sshll.u32 s5, $0x1;
	s5 =	sadd.s32 s21, s3  }
0x9d: {  	[timem:s7], [sflag:s22] =	dma.local [hbm:s5], s20  }
0x9e: {  	_ =	swait.ge [sflag:s22], s20  }
0x9f: {  	s4 =	ssub.s32 $0x0, s20;
	[sflag:s22] =	ssyncset.done $0x0  }
0xa0: {  	[sflag:s22] =	ssyncadd.s32 s4;
	_ =	sdelay $0x1  }
0xa1: {  	s23 =	simm.s32 $0x1B8B  }
0xa2: {  	_ =	swait.ge [sflag:s23], $0x1  }
0xa3: {  	[sflag:s23] =	ssyncset.done $0x0  }
0xa4: {  	s25 =	simm.s32 $0x1B8E;
	s24 =	sld [smem:$0x3FFE];
	[sflag:s23] =	ssyncadd.s32 $0xFFFFFFFF  }
0xa5: {  	s26 =	simm.s32 $execute0_lowered;
	[smem:$0x3FD2] =	sst s25  }
0xa6: {  	s5 =	sshll.u32 s26, $0x1;
	_ =	strace $0x80000046;
	[dreg:$0x1] =	wrdreg $0xFFFFFFFF  }
0xa7: {  	s28 =	simm.s32 $_size_execute0_lowered;
	s3 =	sadd.s32 s3, s5;
	[dreg:$0x0] =	wrdreg $0x0  }
0xa8: {  	s5 =	sshll.u32 s28, $0x1;
	[dreg:$0x2] =	wrdreg s3  }
0xa9: {  	[dreg:$0x3] =	wrdreg s5  }
0xaa: {  	[dreg:$0x4] =	wrdreg $0xC0  }
0xab: {  	_ =	task [dreg:s7], $0x5FFFF  }
0xac: {  	[dreg:$0x1] =	wrdreg $0xFFFFFFFF  }
0xad: {  	[dreg:$0x0] =	wrdreg $0x60  }
0xae: {  	[dreg:$0x2] =	wrdreg s24  }
0xaf: {  	[dreg:$0x3] =	wrdreg s2  }
0xb0: {  	[dreg:$0x4] =	wrdreg $0x60800  }
0xb1: {  	[dreg:$0x5] =	wrdreg $0x9  }
0xb2: {  	_ =	task.clear_ibuf [dreg:s7], $0x6FFFF;
	_ =	strace $0x90000046  }
0xb3: {  	s29 =	simm.s32 $0x9;
	_ =	strace $0x80000048  }
0xb4: {  	_ =	swait.ge [sflag:s29], $0x1  }
0xb5: {  	[sflag:s29] =	ssyncadd.s32 $0xFFFFFFFF  }
0xb6: {  	_ =	strace $0x90000048  }
0xb7: {  	_ =	sfence  }
0xb8: {  	s30 =	sld [smem:$0x0];
	_ =	sdelay $0x2  }
0xb9: {  	s31 =	sshll.u32 s1, $0xD;
	s1 =	sshrl.u32 s1, $0x2  }
0xba: {  	s3 =	sand.u32 $0x4000, s31;
	s1 =	sadd.s32 s1, s30  }
0xbb: {  	s0 =	sor.u32 s3, s0;
	s1 =	sshll.u32 s1, $0x11  }
0xbc: {  	s0 =	sor.u32 s1, s0  }
0xbd: {  	s0 =	sadd.s32 $0x8F2B, s0  }
0xbe: {  	[sflag:s0] =	ssyncadd.remote.s32 $0x1  }
0xbf: {  	_ =	sfence.sel $0xFFFF  }
0xc0: {  	[dreg:$0x0] =	wrdreg $0xFFFFFFFF;
	(pc) =	sbr.abs _section_cstart, $3  }
0xc1: {  	[dreg:$0x1] =	wrdreg $0xFFFFFFFF  }
0xc2: {  	_ =	task.clear_ibuf [dreg:s7], $0x2FFFF;
	_ =	strace $0x9FFFFFFF  }
0xc3: {  	(tm) =	ssettm $0x7FFFFFFF  }
tec
execute0_lowered:
.L_overlay_start_1:
0x0: {  	(tag) =	ssettag $0x1  }
0x1: {  	s5 =	rddreg [dreg:$0x0]  }
0x2: {  	s14 =	rddreg [dreg:$0x1]  }
0x3: {  	s1 =	rddreg [dreg:$0x2]  }
0x4: {  	s0 =	rddreg [dreg:$0x3];
	s2 =	simm.s32 $0x0;
	s3 =	srdreg.scid  }
0x5: {  	s20 =	simm.s32 $0x0;
	[smem:$0x7FF] =	sst s2;
	s11 =	sand.u32 $0x1, s3  }
0x6: {  	s12 =	sadd.s32 $0xC00, s5;
	s3 =	stileid.u32;
	s13 =	sadd.s32 $0xE00, s5  }
0x7: {  	_ =	strace $0x80000047;
	s6 =	ssub.s32 $0x2, s11;
	s4 =	sshll.u32 s3, $0x6  }
0x8: {  	s8 =	sshll.u32 s11, $0xB;
	s16 =	sshll.u32 s3, $0x10;
	s17 =	sshll.u32 s11, $0x15  }
0x9: {  	s11 =	sshllo.u32 s11, $0x1;
	s7 =	sshrl.u32 s6, $0x1;
	s28 =	sor.u32 s4, s8  }
0xa: {  	s17 =	sor.u32 s16, s17;
	s18 =	sshll.u32 s11, $0xA;
	s19 =	sshll.u32 s11, $0x14  }
0xb: {  	s15 =	ssub.s32 s6, s7;
	s29 =	sshrl.u32 s28, $0x3;
	s30 =	sshll.u32 s28, $0x4  }
0xc: {  	s7 =	sadd.s32 s16, s1;
	s17 =	sshrl.u32 s17, $0x3;
	s31 =	sor.u32 s4, s18  }
0xd: {  	s16 =	sor.u32 s16, s19;
	s19 =	simm.s32 $0x40;
	s5 =	sadd.s32 s12, s29  }
0xe: {  	s6 =	sadd.s32 s13, s30;
	s8 =	sadd.s32 $0x4000, s7;
	s9 =	sadd.s32 $0x8000, s7  }
0xf: {  	s10 =	sadd.s32 $0xC000, s7;
	s11 =	sadd.s32 s14, s17;
	s18 =	sshrl.u32 s31, $0x3  }
0x10: {  	s17 =	sshll.u32 s31, $0x4;
	s16 =	sshrl.u32 s16, $0x3;
	s15 =	smax.u32 s15, $0x1  }
0x11: {  	s12 =	sadd.s32 s12, s18;
	s13 =	sadd.s32 s13, s17;
	s14 =	sadd.s32 s14, s16  }
0x12: {  	v0 =	vimm.f32 $0.0e+00;
	s16 =	simm.s32 $0x4000;
	s17 =	simm.s32 $0x1;
	s18 =	simm.s32 $0x4080  }
.LBB2_1:
0x13: {  	s21 =	simm.s32 $0x10;
	s22 =	sand.u32 $0x3FF0, s2  }
.LBB2_2:
0x14: {  	p0 =	sne.s32 s21, $0x3FF0;
	[tilespmem:s22+$0x0] =	vst v0;
	s22 =	smov.u32 s21;
	s21 =	sadd.s32 $0x10, s21  }
.Ltmp0:
0x15: {  	(pc) =	sbr.rel @p0 .LBB2_2-.Ltmp0, $2  }
0x16: {  	_ =	sdelay $0x2  }
0x17: {  	s22 =	sand.u32 $0x3FF0, s22  }
0x18: {  	[tilespmem:s22+$0x0] =	vst v0  }
0x19: {  	[tilespmem:s16], [sflag:$0x1] =	stream.linear.gather [hbm4b:s5+s2], $0x40, $0x38;
	[tilespmem:$0x16080] =	vst v63  }
0x1a: {  	_ =	swait.ge [sflag:s17], $0x40  }
0x1b: {  	[sflag:s17] =	ssyncset.done $0x0  }
0x1c: {  	[sflag:s17] =	ssyncadd.s32 $0xFFFFFFC0  }
0x1d: {  	[tilespmem:s18], [sflag:$0x1] =	stream.linear.gather [hbm4b:s6+s2], $0x2000, $0x38;
	[tilespmem:$0x16080] =	vst v63  }
0x1e: {  	_ =	swait.ge [sflag:s17], $0x2000  }
0x1f: {  	[sflag:s17] =	ssyncset.done $0x0  }
0x20: {  	[sflag:s17] =	ssyncadd.s32 $0xFFFFE000  }
0x21: {  	[spmem:s7] =	stream.linear.scatter [tilespmem:s2], [sflag:$0x1], $0x4000, $0x38;
	[tilespmem:$0x16080] =	vst v63  }
0x22: {  	_ =	swait.ge [sflag:s17], $0x4000  }
0x23: {  	[sflag:s17] =	ssyncset.done $0x0  }
0x24: {  	[sflag:s17] =	ssyncadd.s32 $0xFFFFC000  }
0x25: {  	[spmem:s8] =	stream.linear.scatter [tilespmem:s2], [sflag:$0x1], $0x4000, $0x38;
	[tilespmem:$0x16080] =	vst v63  }
0x26: {  	_ =	swait.ge [sflag:s17], $0x4000  }
0x27: {  	[sflag:s17] =	ssyncset.done $0x0  }
0x28: {  	[sflag:s17] =	ssyncadd.s32 $0xFFFFC000  }
0x29: {  	[spmem:s9] =	stream.linear.scatter [tilespmem:s2], [sflag:$0x1], $0x4000, $0x38;
	[tilespmem:$0x16080] =	vst v63  }
0x2a: {  	_ =	swait.ge [sflag:s17], $0x4000  }
0x2b: {  	[sflag:s17] =	ssyncset.done $0x0  }
0x2c: {  	[sflag:s17] =	ssyncadd.s32 $0xFFFFC000  }
0x2d: {  	[spmem:s10] =	stream.linear.scatter [tilespmem:s2], [sflag:$0x1], $0x4000, $0x38;
	[tilespmem:$0x16080] =	vst v63  }
0x2e: {  	_ =	swait.ge [sflag:s17], $0x4000  }
0x2f: {  	[sflag:s17] =	ssyncset.done $0x0  }
0x30: {  	[sflag:s17] =	ssyncadd.s32 $0xFFFFC000  }
0x31: {  	[bflag:$0x0] =	sbarrier.arrive $0xFFFF  }
0x32: {  	[spmem:s1] =	stream.indirect.scatter.add.f32 [tilespmem:s18], [sflag:$0x1], $0x80, s16, s19, $0xb8;
	[tilespmem:$0x16080] =	vst v63  }
0x33: {  	_ =	swait.ge [sflag:s17], $0x2000  }
0x34: {  	[sflag:s17] =	ssyncset.done $0x0  }
0x35: {  	[sflag:s17] =	ssyncadd.s32 $0xFFFFE000  }
0x36: {  	s21 =	sor.u32 $0x1C01, s4;
	s31 =	sshrl.u32 s7, $0x3;
	[bflag:$0x0] =	sbarrier.arrive $0xFFFF  }
0x37: {  	[hbm:s11], [sflag:s21] =	dma.local [spmem:s31], $0x2000  }
0x38: {  	_ =	swait.ge [sflag:s17], $0x2000  }
0x39: {  	[sflag:s17] =	ssyncset.done $0x0  }
0x3a: {  	[sflag:s17] =	ssyncadd.s32 $0xFFFFE000  }
0x3b: {  	[bflag:$0x0] =	sbarrier.arrive $0xFFFF  }
0x3c: {  	[tilespmem:s16], [sflag:$0x1] =	stream.linear.gather [hbm4b:s12+s2], $0x40, $0x38;
	[tilespmem:$0x16080] =	vst v63  }
0x3d: {  	_ =	swait.ge [sflag:s17], $0x40  }
0x3e: {  	[sflag:s17] =	ssyncset.done $0x0  }
0x3f: {  	[sflag:s17] =	ssyncadd.s32 $0xFFFFFFC0  }
0x40: {  	[tilespmem:s18], [sflag:$0x1] =	stream.linear.gather [hbm4b:s13+s2], $0x2000, $0x38;
	[tilespmem:$0x16080] =	vst v63  }
0x41: {  	_ =	swait.ge [sflag:s17], $0x2000  }
0x42: {  	[sflag:s17] =	ssyncset.done $0x0  }
0x43: {  	[sflag:s17] =	ssyncadd.s32 $0xFFFFE000  }
0x44: {  	[spmem:s7] =	stream.linear.scatter [tilespmem:s2], [sflag:$0x1], $0x4000, $0x38;
	[tilespmem:$0x16080] =	vst v63  }
0x45: {  	_ =	swait.ge [sflag:s17], $0x4000  }
0x46: {  	[sflag:s17] =	ssyncset.done $0x0  }
0x47: {  	[sflag:s17] =	ssyncadd.s32 $0xFFFFC000  }
0x48: {  	[spmem:s8] =	stream.linear.scatter [tilespmem:s2], [sflag:$0x1], $0x4000, $0x38;
	[tilespmem:$0x16080] =	vst v63  }
0x49: {  	_ =	swait.ge [sflag:s17], $0x4000  }
0x4a: {  	[sflag:s17] =	ssyncset.done $0x0  }
0x4b: {  	[sflag:s17] =	ssyncadd.s32 $0xFFFFC000  }
0x4c: {  	[spmem:s9] =	stream.linear.scatter [tilespmem:s2], [sflag:$0x1], $0x4000, $0x38;
	[tilespmem:$0x16080] =	vst v63  }
0x4d: {  	_ =	swait.ge [sflag:s17], $0x4000  }
0x4e: {  	[sflag:s17] =	ssyncset.done $0x0  }
0x4f: {  	[sflag:s17] =	ssyncadd.s32 $0xFFFFC000  }
0x50: {  	[spmem:s10] =	stream.linear.scatter [tilespmem:s2], [sflag:$0x1], $0x4000, $0x38;
	[tilespmem:$0x16080] =	vst v63  }
0x51: {  	_ =	swait.ge [sflag:s17], $0x4000  }
0x52: {  	[sflag:s17] =	ssyncset.done $0x0  }
0x53: {  	[sflag:s17] =	ssyncadd.s32 $0xFFFFC000  }
0x54: {  	[bflag:$0x0] =	sbarrier.arrive $0xFFFF  }
0x55: {  	[spmem:s1] =	stream.indirect.scatter.add.f32 [tilespmem:s18], [sflag:$0x1], $0x80, s16, s19, $0xb8;
	[tilespmem:$0x16080] =	vst v63  }
0x56: {  	_ =	swait.ge [sflag:s17], $0x2000  }
0x57: {  	[sflag:s17] =	ssyncset.done $0x0  }
0x58: {  	s20 =	sadd.s32 $0x1, s20;
	[sflag:s17] =	ssyncadd.s32 $0xFFFFE000  }
0x59: {  	p0 =	sne.s32 s20, s15;
	[bflag:$0x0] =	sbarrier.arrive $0xFFFF  }
0x5a: {  	[hbm:s14], [sflag:s21] =	dma.local [spmem:s31], $0x2000  }
.Ltmp1:
0x5b: {  	_ =	swait.ge [sflag:s17], $0x2000;
	(pc) =	sbr.rel @p0 .LBB2_1-.Ltmp1, $3  }
0x5c: {  	[sflag:s17] =	ssyncset.done $0x0  }
0x5d: {  	[sflag:s17] =	ssyncadd.s32 $0xFFFFE000  }
0x5e: {  	[bflag:$0x0] =	sbarrier.arrive $0xFFFF;
	_ =	sdelay $0x1  }
0x5f: {  	_ =	sfence.sel $0x180000  }
0x60: {  	[bflag:$0x0] =	sbarrier.arrive $0xFFFF  }
0x61: {  	p0 =	sne.s32 s3, $0x0;
	_ =	strace $0x90000047  }
0x62: {  	s0 =	sadd.s32 @!p0 $0x100000, s0;
	[bflag:$0x2] =	sbarrier.arrive $0xFFFF  }
0x63: {  	[sflag:s0] =	ssyncadd.tile.s32 @!p0 $0x1;
	_ =	shalt  }
.Lfunc_end2:
_tile_overlayer_lowered:
.L_overlay_start_2:
0x64: {  	(tag) =	ssettag $0x2  }
0x65: {  	s0 =	rddreg [dreg:$0x0];
	s2 =	stileid.u32  }
0x66: {  	s1 =	rddreg [dreg:$0x1];
	p0 =	sne.s32 s2, $0x0  }
0x67: {  	s3 =	rddreg [dreg:$0x2];
	[bflag:$0x3] =	sbarrier.arrive $0xFFFF;
	s2 =	simm.s32 @!p0 $0x1C01  }
0x68: {  	[timem:s3], [sflag:s2] =	dma.local @!p0 [hbm:s0], s1  }
0x69: {  	s0 =	simm.s32 @!p0 $0x1  }
0x6a: {  	_ =	swait.ge @!p0 [sflag:s0], s1  }
0x6b: {  	s1 =	ssub.s32 @!p0 $0x0, s1;
	[sflag:s0] =	ssyncset.done @!p0 $0x0  }
0x6c: {  	[sflag:s0] =	ssyncadd.s32 @!p0 s1  }
0x6d: {  	[bflag:$0x3] =	sbarrier.arrive $0xFFFF  }
0x6e: {  	_ =	shalt  }

</sc_bundles>
